<compile_context>
chip_gen: v7x
topology: tpu7x:2x2x1
jax: 0.10.2.dev20260603
libtpu: 0.0.44.dev20260713+nightly
codegen_flags: <defaults>
</compile_context>

<pallas_src>
import functools

import jax
import jax.numpy as jnp
from jax import lax
from jax.experimental import pallas as pl
from jax.experimental.pallas import tpu as pltpu
from jax.experimental.pallas import tpu_sc as plsc

_B, _S = 4, 8192
_T = _B * _S
_D = 64
_H = 1024
_V = 409
_VS = (9, 16, 64, 64, 256)
_OFF = (0, 9, 25, 89, 153)
_NCOMP = 5

_NC, _NS = 2, 16
_NW = _NC * _NS
_TW = _T // _NW
_L = 16


def _sc_weighted(ids, emb_flat, scales_b):
    mesh = plsc.VectorSubcoreMesh(core_axis_name="c", subcore_axis_name="s")

    @functools.partial(
        pl.kernel,
        out_type=jax.ShapeDtypeStruct((_T * _D,), jnp.float32),
        mesh=mesh,
        scratch_types=[
            pltpu.VMEM((_V * _D,), jnp.float32),
            pltpu.VMEM((_NCOMP * _TW,), jnp.int32),
            pltpu.VMEM((_TW * _D,), jnp.float32),
            pltpu.VMEM((_NCOMP, _L), jnp.float32),
            pltpu.SemaphoreType.DMA,
        ],
        compiler_params=pltpu.CompilerParams(
            use_tc_tiling_on_sc=False, needs_layout_passes=False),
    )
    def body(ids_hbm, emb_hbm, scales_hbm, w_hbm, table, idbuf, wbuf, scv,
             osem):
        wid = lax.axis_index("s") * _NC + lax.axis_index("c")
        base = wid * _TW
        pltpu.sync_copy(emb_hbm, table)
        pltpu.sync_copy(scales_hbm, scv)
        for c in range(_NCOMP):
            pltpu.sync_copy(ids_hbm.at[pl.ds(c * _T + base, _TW)],
                            idbuf.at[pl.ds(c * _TW, _TW)])

        for c in range(_NCOMP):
            sv = scv[c, :]

            @plsc.parallel_loop(0, _VS[c], unroll=4)
            def sbody(r, c=c, sv=sv):
                o = (_OFF[c] + r) * _D
                for f in range(_D // _L):
                    fo = o + f * _L
                    table[pl.ds(fo, _L)] = table[pl.ds(fo, _L)] * sv

        for c in range(_NCOMP):
            lo = c * _TW

            @plsc.parallel_loop(0, _TW // _L, unroll=4)
            def tbody(j, lo=lo, c=c):
                o = lo + j * _L
                v = idbuf[pl.ds(o, _L)]
                v = (jnp.minimum(jnp.maximum(v, 0), _VS[c] - 1) + _OFF[c]) * _D
                idbuf[pl.ds(o, _L)] = v

        lanes = lax.iota(jnp.int32, _L)
        t64 = lanes * _D

        @plsc.parallel_loop(0, _TW // _L)
        def gbody(g):
            tokm = g * (_L * _D) + t64
            rows = [idbuf[pl.ds(c * _TW + g * _L, _L)] for c in range(_NCOMP)]

            @plsc.parallel_loop(0, _D, unroll=8)
            def fbody(j):
                perm = (j + lanes) & (_D - 1)
                acc = plsc.load_gather(table, [rows[0] + perm])
                for c in range(1, _NCOMP):
                    acc = acc + plsc.load_gather(table, [rows[c] + perm])
                plsc.store_scatter(wbuf, [tokm + perm], acc)
        pltpu.sync_copy(wbuf, w_hbm.at[pl.ds(base * _D, _TW * _D)])

    return body(ids, emb_flat, scales_b)


def _tc_up_proj(w, up_t):
    tb = 4096

    def mm(w_ref, u_ref, o_ref):
        o_ref[...] = jnp.dot(w_ref[...], u_ref[...],
                             preferred_element_type=jnp.float32)

    return pl.pallas_call(
        mm,
        grid=(_T // tb,),
        in_specs=[
            pl.BlockSpec((tb, _D), lambda i: (i, 0)),
            pl.BlockSpec((_D, _H), lambda i: (0, 0)),
        ],
        out_specs=pl.BlockSpec((tb, _H), lambda i: (i, 0)),
        out_shape=jax.ShapeDtypeStruct((_T, _H), jnp.float32),
        compiler_params=pltpu.CompilerParams(
            dimension_semantics=("arbitrary",)),
    )(w, up_t)


def kernel(structure_ids, dep_levels, ast_depth_ids, sibling_index_ids,
           node_type_ids, emb_weight, up_proj_weight, component_scales):
    ids = jnp.concatenate(
        [a.reshape(-1) for a in (structure_ids, dep_levels, ast_depth_ids,
                                 sibling_index_ids, node_type_ids)], axis=0)
    scales_b = jnp.broadcast_to(
        component_scales.reshape(_NCOMP, 1).astype(jnp.float32), (_NCOMP, _L))
    w = _sc_weighted(ids, emb_weight.reshape(-1), scales_b)
    out = _tc_up_proj(w.reshape(_T, _D), up_proj_weight.T)
    return out.reshape(_B, _S, _H)

# --- scband reference (transcript-rebuilt; emitter-appended) ---
"""Pipeline reference for scband-cpp-mega-structure-embedding-48825188221327 (READ-ONLY COPY).

The authoritative reference and input builder live on the scoring server;
editing this copy changes nothing except your own understanding.
"""

import jax, jax.numpy as jnp
import numpy as np

B, S = 4, 8192
HIDDEN = 1024
BOTTLENECK = 64
VOCAB_SIZES = [9, 16, 64, 64, 256]  # structure, dep_level, ast_depth, sibling_index, ast_node_type
OFFSETS = np.concatenate([[0], np.cumsum(VOCAB_SIZES)[:-1]]).tolist()  # [0, 9, 25, 89, 153]
TOTAL_VOCAB = int(sum(VOCAB_SIZES))  # 409
NUM_COMP = 5


def setup_inputs(seed: int = 0) -> dict:
    key = jax.random.key(seed)
    ks = jax.random.split(key, 8)
    structure_ids = jax.random.randint(ks[0], (B, S), 0, VOCAB_SIZES[0], dtype=jnp.int32)
    dep_levels = jax.random.randint(ks[1], (B, S), 0, VOCAB_SIZES[1], dtype=jnp.int32)
    ast_depth_ids = jax.random.randint(ks[2], (B, S), 0, VOCAB_SIZES[2], dtype=jnp.int32)
    sibling_index_ids = jax.random.randint(ks[3], (B, S), 0, VOCAB_SIZES[3], dtype=jnp.int32)
    node_type_ids = jax.random.randint(ks[4], (B, S), 0, VOCAB_SIZES[4], dtype=jnp.int32)
    emb_weight = jax.random.normal(ks[5], (TOTAL_VOCAB, BOTTLENECK), dtype=jnp.float32) * 0.02
    up_proj_weight = jax.random.normal(ks[6], (HIDDEN, BOTTLENECK), dtype=jnp.float32) * 0.02
    component_scales = jnp.full((NUM_COMP,), 1.0 / NUM_COMP, dtype=jnp.float32)
    return {
        "structure_ids": structure_ids,
        "dep_levels": dep_levels,
        "ast_depth_ids": ast_depth_ids,
        "sibling_index_ids": sibling_index_ids,
        "node_type_ids": node_type_ids,
        "emb_weight": emb_weight,
        "up_proj_weight": up_proj_weight,
        "component_scales": component_scales,
    }


def reference(structure_ids, dep_levels, ast_depth_ids, sibling_index_ids, node_type_ids,
              emb_weight, up_proj_weight, component_scales):
    ids = [structure_ids, dep_levels, ast_depth_ids, sibling_index_ids, node_type_ids]
    batch, seq = ids[0].shape
    shifted = []
    for i in range(NUM_COMP):
        clamped = jnp.clip(ids[i], 0, VOCAB_SIZES[i] - 1)
        shifted.append(clamped + OFFSETS[i])
    stacked_ids = jnp.stack(shifted, axis=-1).reshape(batch * seq, NUM_COMP)
    emb = jnp.take(emb_weight, stacked_ids, axis=0).reshape(batch, seq, NUM_COMP, BOTTLENECK)
    weighted = (emb * component_scales.reshape(1, 1, -1, 1)).sum(axis=2)
    out = weighted @ up_proj_weight.T
    return out

if __name__ == "__main__":
    import jax
    _d = setup_inputs()
    print(jax.jit(kernel)(*tuple(_d.values())))

</pallas_src>

<mosaic_0001>
#map = affine_map<(d0, d1) -> (0)>
#map1 = affine_map<(d0, d1) -> (0, 0)>
module attributes {stable_mosaic.version = 14 : i64} {
  func.func @body(%arg0: i32, %arg1: i32, %arg2: memref<163840xi32, #tpu.memory_space<hbm>>, %arg3: memref<26176xf32, #tpu.memory_space<hbm>>, %arg4: memref<5x16xf32, #tpu.memory_space<hbm>>, %arg5: memref<2097152xf32, #tpu.memory_space<hbm>>, %arg6: memref<26176xf32, #tpu.memory_space<vmem>>, %arg7: memref<5120xi32, #tpu.memory_space<vmem>>, %arg8: memref<65536xf32, #tpu.memory_space<vmem>>, %arg9: memref<5x16xf32, #tpu.memory_space<vmem>>, %arg10: memref<!tpu.dma_semaphore, #tpu.memory_space<semaphore_mem>>) attributes {dimension_semantics = [#tpu.dimension_semantics<core_parallel>, #tpu.dimension_semantics<subcore_parallel>], iteration_bounds = array<i64: 2, 16>, scalar_prefetch = 0 : i64, scratch_operands = 5 : i64, tpu.core_type = #tpu.core_type<sc_vector_subcore>, window_params = [{transform_indices = #map}, {transform_indices = #map}, {transform_indices = #map1}, {transform_indices = #map}]} {
    %mul3A = arith.constant 2 : i32
    %mul3A_0 = arith.muli %arg1, %mul3A : i32
    %add3A = arith.addi %mul3A_0, %arg0 : i32
    %mul3A_1 = arith.constant 1024 : i32
    %mul3A_2 = arith.muli %add3A, %mul3A_1 : i32
    "tpu.region"() ({
      %run_scoped3A = tpu.sem_alloc : memref<!tpu.dma_semaphore, #tpu.memory_space<semaphore_mem>>
      tpu.enqueue_dma source(%arg3 : memref<26176xf32, #tpu.memory_space<hbm>>) target(%arg6 : memref<26176xf32, #tpu.memory_space<vmem>>) target_semaphore(%run_scoped3A : memref<!tpu.dma_semaphore, #tpu.memory_space<semaphore_mem>>)
      tpu.wait_dma2 semaphore(%run_scoped3A : memref<!tpu.dma_semaphore, #tpu.memory_space<semaphore_mem>>) src(%arg3 : memref<26176xf32, #tpu.memory_space<hbm>>) dst(%arg6 : memref<26176xf32, #tpu.memory_space<vmem>>)
      tpu.yield
    }) : () -> ()
    "tpu.region"() ({
      %run_scoped3A = tpu.sem_alloc : memref<!tpu.dma_semaphore, #tpu.memory_space<semaphore_mem>>
      tpu.enqueue_dma source(%arg4 : memref<5x16xf32, #tpu.memory_space<hbm>>) target(%arg9 : memref<5x16xf32, #tpu.memory_space<vmem>>) target_semaphore(%run_scoped3A : memref<!tpu.dma_semaphore, #tpu.memory_space<semaphore_mem>>)
      tpu.wait_dma2 semaphore(%run_scoped3A : memref<!tpu.dma_semaphore, #tpu.memory_space<semaphore_mem>>) src(%arg4 : memref<5x16xf32, #tpu.memory_space<hbm>>) dst(%arg9 : memref<5x16xf32, #tpu.memory_space<vmem>>)
      tpu.yield
    }) : () -> ()
    %add3A_3 = arith.constant 0 : i32
    %add3A_4 = arith.addi %add3A_3, %mul3A_2 : i32
    "tpu.region"() ({
      %run_scoped3A = tpu.sem_alloc : memref<!tpu.dma_semaphore, #tpu.memory_space<semaphore_mem>>
      %dma_start3A = arith.constant 0 : i32
      %dma_start3A_69 = tpu.memref_slice %arg7[%dma_start3A] : memref<5120xi32, #tpu.memory_space<vmem>> -> memref<1024xi32, #tpu.memory_space<vmem>>
      %dma_start3A_70 = tpu.memref_slice %arg2[%add3A_4] : memref<163840xi32, #tpu.memory_space<hbm>> -> memref<1024xi32, #tpu.memory_space<hbm>>
      %dma_start3A_71 = arith.constant 0 : i32
      %dma_start3A_72 = tpu.memref_slice %arg7[%dma_start3A_71] : memref<5120xi32, #tpu.memory_space<vmem>> -> memref<1024xi32, #tpu.memory_space<vmem>>
      %dma_start3A_73 = tpu.memref_slice %arg2[%add3A_4] : memref<163840xi32, #tpu.memory_space<hbm>> -> memref<1024xi32, #tpu.memory_space<hbm>>
      tpu.enqueue_dma source(%dma_start3A_73 : memref<1024xi32, #tpu.memory_space<hbm>>) target(%dma_start3A_72 : memref<1024xi32, #tpu.memory_space<vmem>>) target_semaphore(%run_scoped3A : memref<!tpu.dma_semaphore, #tpu.memory_space<semaphore_mem>>)
      %dma_wait3A = arith.constant 0 : i32
      %dma_wait3A_74 = tpu.memref_slice %arg7[%dma_wait3A] : memref<5120xi32, #tpu.memory_space<vmem>> -> memref<1024xi32, #tpu.memory_space<vmem>>
      %dma_wait3A_75 = tpu.memref_slice %arg2[%add3A_4] : memref<163840xi32, #tpu.memory_space<hbm>> -> memref<1024xi32, #tpu.memory_space<hbm>>
      %dma_wait3A_76 = arith.constant 0 : i32
      %dma_wait3A_77 = tpu.memref_slice %arg7[%dma_wait3A_76] : memref<5120xi32, #tpu.memory_space<vmem>> -> memref<1024xi32, #tpu.memory_space<vmem>>
      %dma_wait3A_78 = tpu.memref_slice %arg2[%add3A_4] : memref<163840xi32, #tpu.memory_space<hbm>> -> memref<1024xi32, #tpu.memory_space<hbm>>
      tpu.wait_dma2 semaphore(%run_scoped3A : memref<!tpu.dma_semaphore, #tpu.memory_space<semaphore_mem>>) src(%dma_wait3A_78 : memref<1024xi32, #tpu.memory_space<hbm>>) dst(%dma_wait3A_77 : memref<1024xi32, #tpu.memory_space<vmem>>)
      tpu.yield
    }) : () -> ()
    %add3A_5 = arith.constant 32768 : i32
    %add3A_6 = arith.addi %add3A_5, %mul3A_2 : i32
    "tpu.region"() ({
      %run_scoped3A = tpu.sem_alloc : memref<!tpu.dma_semaphore, #tpu.memory_space<semaphore_mem>>
      %dma_start3A = arith.constant 1024 : i32
      %dma_start3A_69 = tpu.memref_slice %arg7[%dma_start3A] : memref<5120xi32, #tpu.memory_space<vmem>> -> memref<1024xi32, #tpu.memory_space<vmem>>
      %dma_start3A_70 = tpu.memref_slice %arg2[%add3A_6] : memref<163840xi32, #tpu.memory_space<hbm>> -> memref<1024xi32, #tpu.memory_space<hbm>>
      %dma_start3A_71 = arith.constant 1024 : i32
      %dma_start3A_72 = tpu.memref_slice %arg7[%dma_start3A_71] : memref<5120xi32, #tpu.memory_space<vmem>> -> memref<1024xi32, #tpu.memory_space<vmem>>
      %dma_start3A_73 = tpu.memref_slice %arg2[%add3A_6] : memref<163840xi32, #tpu.memory_space<hbm>> -> memref<1024xi32, #tpu.memory_space<hbm>>
      tpu.enqueue_dma source(%dma_start3A_73 : memref<1024xi32, #tpu.memory_space<hbm>>) target(%dma_start3A_72 : memref<1024xi32, #tpu.memory_space<vmem>>) target_semaphore(%run_scoped3A : memref<!tpu.dma_semaphore, #tpu.memory_space<semaphore_mem>>)
      %dma_wait3A = arith.constant 1024 : i32
      %dma_wait3A_74 = tpu.memref_slice %arg7[%dma_wait3A] : memref<5120xi32, #tpu.memory_space<vmem>> -> memref<1024xi32, #tpu.memory_space<vmem>>
      %dma_wait3A_75 = tpu.memref_slice %arg2[%add3A_6] : memref<163840xi32, #tpu.memory_space<hbm>> -> memref<1024xi32, #tpu.memory_space<hbm>>
      %dma_wait3A_76 = arith.constant 1024 : i32
      %dma_wait3A_77 = tpu.memref_slice %arg7[%dma_wait3A_76] : memref<5120xi32, #tpu.memory_space<vmem>> -> memref<1024xi32, #tpu.memory_space<vmem>>
      %dma_wait3A_78 = tpu.memref_slice %arg2[%add3A_6] : memref<163840xi32, #tpu.memory_space<hbm>> -> memref<1024xi32, #tpu.memory_space<hbm>>
      tpu.wait_dma2 semaphore(%run_scoped3A : memref<!tpu.dma_semaphore, #tpu.memory_space<semaphore_mem>>) src(%dma_wait3A_78 : memref<1024xi32, #tpu.memory_space<hbm>>) dst(%dma_wait3A_77 : memref<1024xi32, #tpu.memory_space<vmem>>)
      tpu.yield
    }) : () -> ()
    %add3A_7 = arith.constant 65536 : i32
    %add3A_8 = arith.addi %add3A_7, %mul3A_2 : i32
    "tpu.region"() ({
      %run_scoped3A = tpu.sem_alloc : memref<!tpu.dma_semaphore, #tpu.memory_space<semaphore_mem>>
      %dma_start3A = arith.constant 2048 : i32
      %dma_start3A_69 = tpu.memref_slice %arg7[%dma_start3A] : memref<5120xi32, #tpu.memory_space<vmem>> -> memref<1024xi32, #tpu.memory_space<vmem>>
      %dma_start3A_70 = tpu.memref_slice %arg2[%add3A_8] : memref<163840xi32, #tpu.memory_space<hbm>> -> memref<1024xi32, #tpu.memory_space<hbm>>
      %dma_start3A_71 = arith.constant 2048 : i32
      %dma_start3A_72 = tpu.memref_slice %arg7[%dma_start3A_71] : memref<5120xi32, #tpu.memory_space<vmem>> -> memref<1024xi32, #tpu.memory_space<vmem>>
      %dma_start3A_73 = tpu.memref_slice %arg2[%add3A_8] : memref<163840xi32, #tpu.memory_space<hbm>> -> memref<1024xi32, #tpu.memory_space<hbm>>
      tpu.enqueue_dma source(%dma_start3A_73 : memref<1024xi32, #tpu.memory_space<hbm>>) target(%dma_start3A_72 : memref<1024xi32, #tpu.memory_space<vmem>>) target_semaphore(%run_scoped3A : memref<!tpu.dma_semaphore, #tpu.memory_space<semaphore_mem>>)
      %dma_wait3A = arith.constant 2048 : i32
      %dma_wait3A_74 = tpu.memref_slice %arg7[%dma_wait3A] : memref<5120xi32, #tpu.memory_space<vmem>> -> memref<1024xi32, #tpu.memory_space<vmem>>
      %dma_wait3A_75 = tpu.memref_slice %arg2[%add3A_8] : memref<163840xi32, #tpu.memory_space<hbm>> -> memref<1024xi32, #tpu.memory_space<hbm>>
      %dma_wait3A_76 = arith.constant 2048 : i32
      %dma_wait3A_77 = tpu.memref_slice %arg7[%dma_wait3A_76] : memref<5120xi32, #tpu.memory_space<vmem>> -> memref<1024xi32, #tpu.memory_space<vmem>>
      %dma_wait3A_78 = tpu.memref_slice %arg2[%add3A_8] : memref<163840xi32, #tpu.memory_space<hbm>> -> memref<1024xi32, #tpu.memory_space<hbm>>
      tpu.wait_dma2 semaphore(%run_scoped3A : memref<!tpu.dma_semaphore, #tpu.memory_space<semaphore_mem>>) src(%dma_wait3A_78 : memref<1024xi32, #tpu.memory_space<hbm>>) dst(%dma_wait3A_77 : memref<1024xi32, #tpu.memory_space<vmem>>)
      tpu.yield
    }) : () -> ()
    %add3A_9 = arith.constant 98304 : i32
    %add3A_10 = arith.addi %add3A_9, %mul3A_2 : i32
    "tpu.region"() ({
      %run_scoped3A = tpu.sem_alloc : memref<!tpu.dma_semaphore, #tpu.memory_space<semaphore_mem>>
      %dma_start3A = arith.constant 3072 : i32
      %dma_start3A_69 = tpu.memref_slice %arg7[%dma_start3A] : memref<5120xi32, #tpu.memory_space<vmem>> -> memref<1024xi32, #tpu.memory_space<vmem>>
      %dma_start3A_70 = tpu.memref_slice %arg2[%add3A_10] : memref<163840xi32, #tpu.memory_space<hbm>> -> memref<1024xi32, #tpu.memory_space<hbm>>
      %dma_start3A_71 = arith.constant 3072 : i32
      %dma_start3A_72 = tpu.memref_slice %arg7[%dma_start3A_71] : memref<5120xi32, #tpu.memory_space<vmem>> -> memref<1024xi32, #tpu.memory_space<vmem>>
      %dma_start3A_73 = tpu.memref_slice %arg2[%add3A_10] : memref<163840xi32, #tpu.memory_space<hbm>> -> memref<1024xi32, #tpu.memory_space<hbm>>
      tpu.enqueue_dma source(%dma_start3A_73 : memref<1024xi32, #tpu.memory_space<hbm>>) target(%dma_start3A_72 : memref<1024xi32, #tpu.memory_space<vmem>>) target_semaphore(%run_scoped3A : memref<!tpu.dma_semaphore, #tpu.memory_space<semaphore_mem>>)
      %dma_wait3A = arith.constant 3072 : i32
      %dma_wait3A_74 = tpu.memref_slice %arg7[%dma_wait3A] : memref<5120xi32, #tpu.memory_space<vmem>> -> memref<1024xi32, #tpu.memory_space<vmem>>
      %dma_wait3A_75 = tpu.memref_slice %arg2[%add3A_10] : memref<163840xi32, #tpu.memory_space<hbm>> -> memref<1024xi32, #tpu.memory_space<hbm>>
      %dma_wait3A_76 = arith.constant 3072 : i32
      %dma_wait3A_77 = tpu.memref_slice %arg7[%dma_wait3A_76] : memref<5120xi32, #tpu.memory_space<vmem>> -> memref<1024xi32, #tpu.memory_space<vmem>>
      %dma_wait3A_78 = tpu.memref_slice %arg2[%add3A_10] : memref<163840xi32, #tpu.memory_space<hbm>> -> memref<1024xi32, #tpu.memory_space<hbm>>
      tpu.wait_dma2 semaphore(%run_scoped3A : memref<!tpu.dma_semaphore, #tpu.memory_space<semaphore_mem>>) src(%dma_wait3A_78 : memref<1024xi32, #tpu.memory_space<hbm>>) dst(%dma_wait3A_77 : memref<1024xi32, #tpu.memory_space<vmem>>)
      tpu.yield
    }) : () -> ()
    %add3A_11 = arith.constant 131072 : i32
    %add3A_12 = arith.addi %add3A_11, %mul3A_2 : i32
    "tpu.region"() ({
      %run_scoped3A = tpu.sem_alloc : memref<!tpu.dma_semaphore, #tpu.memory_space<semaphore_mem>>
      %dma_start3A = arith.constant 4096 : i32
      %dma_start3A_69 = tpu.memref_slice %arg7[%dma_start3A] : memref<5120xi32, #tpu.memory_space<vmem>> -> memref<1024xi32, #tpu.memory_space<vmem>>
      %dma_start3A_70 = tpu.memref_slice %arg2[%add3A_12] : memref<163840xi32, #tpu.memory_space<hbm>> -> memref<1024xi32, #tpu.memory_space<hbm>>
      %dma_start3A_71 = arith.constant 4096 : i32
      %dma_start3A_72 = tpu.memref_slice %arg7[%dma_start3A_71] : memref<5120xi32, #tpu.memory_space<vmem>> -> memref<1024xi32, #tpu.memory_space<vmem>>
      %dma_start3A_73 = tpu.memref_slice %arg2[%add3A_12] : memref<163840xi32, #tpu.memory_space<hbm>> -> memref<1024xi32, #tpu.memory_space<hbm>>
      tpu.enqueue_dma source(%dma_start3A_73 : memref<1024xi32, #tpu.memory_space<hbm>>) target(%dma_start3A_72 : memref<1024xi32, #tpu.memory_space<vmem>>) target_semaphore(%run_scoped3A : memref<!tpu.dma_semaphore, #tpu.memory_space<semaphore_mem>>)
      %dma_wait3A = arith.constant 4096 : i32
      %dma_wait3A_74 = tpu.memref_slice %arg7[%dma_wait3A] : memref<5120xi32, #tpu.memory_space<vmem>> -> memref<1024xi32, #tpu.memory_space<vmem>>
      %dma_wait3A_75 = tpu.memref_slice %arg2[%add3A_12] : memref<163840xi32, #tpu.memory_space<hbm>> -> memref<1024xi32, #tpu.memory_space<hbm>>
      %dma_wait3A_76 = arith.constant 4096 : i32
      %dma_wait3A_77 = tpu.memref_slice %arg7[%dma_wait3A_76] : memref<5120xi32, #tpu.memory_space<vmem>> -> memref<1024xi32, #tpu.memory_space<vmem>>
      %dma_wait3A_78 = tpu.memref_slice %arg2[%add3A_12] : memref<163840xi32, #tpu.memory_space<hbm>> -> memref<1024xi32, #tpu.memory_space<hbm>>
      tpu.wait_dma2 semaphore(%run_scoped3A : memref<!tpu.dma_semaphore, #tpu.memory_space<semaphore_mem>>) src(%dma_wait3A_78 : memref<1024xi32, #tpu.memory_space<hbm>>) dst(%dma_wait3A_77 : memref<1024xi32, #tpu.memory_space<vmem>>)
      tpu.yield
    }) : () -> ()
    %get3A = arith.constant 0 : i32
    %get3A_13 = arith.index_cast %get3A : i32 to index
    %get3A_14 = arith.constant 0 : index
    %get3A_15 = tpu.vector_load %arg9[%get3A_13, %get3A_14] {strides = array<i32>} : memref<5x16xf32, #tpu.memory_space<vmem>>, vector<16xf32>,
    %parallel_loop3A = arith.constant 0 : i32
    %parallel_loop3A_16 = arith.constant 9 : i32
    %parallel_loop3A_17 = arith.constant 1 : i32
    scf.for %parallel_loop3A_69 = %parallel_loop3A to %parallel_loop3A_16 step %parallel_loop3A_17  : i32 {
      %parallel_loop3A_70 = arith.constant 0 : i32
      %parallel_loop3A_71 = arith.addi %parallel_loop3A_70, %parallel_loop3A_69 : i32
      %parallel_loop3A_72 = arith.constant 64 : i32
      %parallel_loop3A_73 = arith.muli %parallel_loop3A_71, %parallel_loop3A_72 : i32
      %parallel_loop3A_74 = arith.constant 0 : i32
      %parallel_loop3A_75 = arith.addi %parallel_loop3A_73, %parallel_loop3A_74 : i32
      %parallel_loop3A_76 = arith.index_cast %parallel_loop3A_75 : i32 to index
      %parallel_loop3A_77 = tpu.vector_load %arg6[%parallel_loop3A_76] {strides = array<i32>} : memref<26176xf32, #tpu.memory_space<vmem>>, vector<16xf32>,
      %parallel_loop3A_78 = arith.mulf %parallel_loop3A_77, %get3A_15 : vector<16xf32>
      %parallel_loop3A_79 = arith.index_cast %parallel_loop3A_75 : i32 to index
      %parallel_loop3A_80 = tpu.vector_load %arg6[%parallel_loop3A_79] {strides = array<i32>} : memref<26176xf32, #tpu.memory_space<vmem>>, vector<16xf32>,
      tpu.vector_store %arg6[%parallel_loop3A_79], %parallel_loop3A_78 {strides = array<i32>} : memref<26176xf32, #tpu.memory_space<vmem>>, vector<16xf32>,
      %parallel_loop3A_81 = arith.constant 16 : i32
      %parallel_loop3A_82 = arith.addi %parallel_loop3A_73, %parallel_loop3A_81 : i32
      %parallel_loop3A_83 = arith.index_cast %parallel_loop3A_82 : i32 to index
      %parallel_loop3A_84 = tpu.vector_load %arg6[%parallel_loop3A_83] {strides = array<i32>} : memref<26176xf32, #tpu.memory_space<vmem>>, vector<16xf32>,
      %parallel_loop3A_85 = arith.mulf %parallel_loop3A_84, %get3A_15 : vector<16xf32>
      %parallel_loop3A_86 = arith.index_cast %parallel_loop3A_82 : i32 to index
      %parallel_loop3A_87 = tpu.vector_load %arg6[%parallel_loop3A_86] {strides = array<i32>} : memref<26176xf32, #tpu.memory_space<vmem>>, vector<16xf32>,
      tpu.vector_store %arg6[%parallel_loop3A_86], %parallel_loop3A_85 {strides = array<i32>} : memref<26176xf32, #tpu.memory_space<vmem>>, vector<16xf32>,
      %parallel_loop3A_88 = arith.constant 32 : i32
      %parallel_loop3A_89 = arith.addi %parallel_loop3A_73, %parallel_loop3A_88 : i32
      %parallel_loop3A_90 = arith.index_cast %parallel_loop3A_89 : i32 to index
      %parallel_loop3A_91 = tpu.vector_load %arg6[%parallel_loop3A_90] {strides = array<i32>} : memref<26176xf32, #tpu.memory_space<vmem>>, vector<16xf32>,
      %parallel_loop3A_92 = arith.mulf %parallel_loop3A_91, %get3A_15 : vector<16xf32>
      %parallel_loop3A_93 = arith.index_cast %parallel_loop3A_89 : i32 to index
      %parallel_loop3A_94 = tpu.vector_load %arg6[%parallel_loop3A_93] {strides = array<i32>} : memref<26176xf32, #tpu.memory_space<vmem>>, vector<16xf32>,
      tpu.vector_store %arg6[%parallel_loop3A_93], %parallel_loop3A_92 {strides = array<i32>} : memref<26176xf32, #tpu.memory_space<vmem>>, vector<16xf32>,
      %parallel_loop3A_95 = arith.constant 48 : i32
      %parallel_loop3A_96 = arith.addi %parallel_loop3A_73, %parallel_loop3A_95 : i32
      %parallel_loop3A_97 = arith.index_cast %parallel_loop3A_96 : i32 to index
      %parallel_loop3A_98 = tpu.vector_load %arg6[%parallel_loop3A_97] {strides = array<i32>} : memref<26176xf32, #tpu.memory_space<vmem>>, vector<16xf32>,
      %parallel_loop3A_99 = arith.mulf %parallel_loop3A_98, %get3A_15 : vector<16xf32>
      %parallel_loop3A_100 = arith.index_cast %parallel_loop3A_96 : i32 to index
      %parallel_loop3A_101 = tpu.vector_load %arg6[%parallel_loop3A_100] {strides = array<i32>} : memref<26176xf32, #tpu.memory_space<vmem>>, vector<16xf32>,
      tpu.vector_store %arg6[%parallel_loop3A_100], %parallel_loop3A_99 {strides = array<i32>} : memref<26176xf32, #tpu.memory_space<vmem>>, vector<16xf32>,
    } {sc.loop_unroll_factor = 4 : i64, sc.parallel_access}
    %get3A_18 = arith.constant 1 : i32
    %get3A_19 = arith.index_cast %get3A_18 : i32 to index
    %get3A_20 = arith.constant 0 : index
    %get3A_21 = tpu.vector_load %arg9[%get3A_19, %get3A_20] {strides = array<i32>} : memref<5x16xf32, #tpu.memory_space<vmem>>, vector<16xf32>,
    %parallel_loop3A_22 = arith.constant 0 : i32
    %parallel_loop3A_23 = arith.constant 16 : i32
    %parallel_loop3A_24 = arith.constant 1 : i32
    scf.for %parallel_loop3A_69 = %parallel_loop3A_22 to %parallel_loop3A_23 step %parallel_loop3A_24  : i32 {
      %parallel_loop3A_70 = arith.constant 9 : i32
      %parallel_loop3A_71 = arith.addi %parallel_loop3A_70, %parallel_loop3A_69 : i32
      %parallel_loop3A_72 = arith.constant 64 : i32
      %parallel_loop3A_73 = arith.muli %parallel_loop3A_71, %parallel_loop3A_72 : i32
      %parallel_loop3A_74 = arith.constant 0 : i32
      %parallel_loop3A_75 = arith.addi %parallel_loop3A_73, %parallel_loop3A_74 : i32
      %parallel_loop3A_76 = arith.index_cast %parallel_loop3A_75 : i32 to index
      %parallel_loop3A_77 = tpu.vector_load %arg6[%parallel_loop3A_76] {strides = array<i32>} : memref<26176xf32, #tpu.memory_space<vmem>>, vector<16xf32>,
      %parallel_loop3A_78 = arith.mulf %parallel_loop3A_77, %get3A_21 : vector<16xf32>
      %parallel_loop3A_79 = arith.index_cast %parallel_loop3A_75 : i32 to index
      %parallel_loop3A_80 = tpu.vector_load %arg6[%parallel_loop3A_79] {strides = array<i32>} : memref<26176xf32, #tpu.memory_space<vmem>>, vector<16xf32>,
      tpu.vector_store %arg6[%parallel_loop3A_79], %parallel_loop3A_78 {strides = array<i32>} : memref<26176xf32, #tpu.memory_space<vmem>>, vector<16xf32>,
      %parallel_loop3A_81 = arith.constant 16 : i32
      %parallel_loop3A_82 = arith.addi %parallel_loop3A_73, %parallel_loop3A_81 : i32
      %parallel_loop3A_83 = arith.index_cast %parallel_loop3A_82 : i32 to index
      %parallel_loop3A_84 = tpu.vector_load %arg6[%parallel_loop3A_83] {strides = array<i32>} : memref<26176xf32, #tpu.memory_space<vmem>>, vector<16xf32>,
      %parallel_loop3A_85 = arith.mulf %parallel_loop3A_84, %get3A_21 : vector<16xf32>
      %parallel_loop3A_86 = arith.index_cast %parallel_loop3A_82 : i32 to index
      %parallel_loop3A_87 = tpu.vector_load %arg6[%parallel_loop3A_86] {strides = array<i32>} : memref<26176xf32, #tpu.memory_space<vmem>>, vector<16xf32>,
      tpu.vector_store %arg6[%parallel_loop3A_86], %parallel_loop3A_85 {strides = array<i32>} : memref<26176xf32, #tpu.memory_space<vmem>>, vector<16xf32>,
      %parallel_loop3A_88 = arith.constant 32 : i32
      %parallel_loop3A_89 = arith.addi %parallel_loop3A_73, %parallel_loop3A_88 : i32
      %parallel_loop3A_90 = arith.index_cast %parallel_loop3A_89 : i32 to index
      %parallel_loop3A_91 = tpu.vector_load %arg6[%parallel_loop3A_90] {strides = array<i32>} : memref<26176xf32, #tpu.memory_space<vmem>>, vector<16xf32>,
      %parallel_loop3A_92 = arith.mulf %parallel_loop3A_91, %get3A_21 : vector<16xf32>
      %parallel_loop3A_93 = arith.index_cast %parallel_loop3A_89 : i32 to index
      %parallel_loop3A_94 = tpu.vector_load %arg6[%parallel_loop3A_93] {strides = array<i32>} : memref<26176xf32, #tpu.memory_space<vmem>>, vector<16xf32>,
      tpu.vector_store %arg6[%parallel_loop3A_93], %parallel_loop3A_92 {strides = array<i32>} : memref<26176xf32, #tpu.memory_space<vmem>>, vector<16xf32>,
      %parallel_loop3A_95 = arith.constant 48 : i32
      %parallel_loop3A_96 = arith.addi %parallel_loop3A_73, %parallel_loop3A_95 : i32
      %parallel_loop3A_97 = arith.index_cast %parallel_loop3A_96 : i32 to index
      %parallel_loop3A_98 = tpu.vector_load %arg6[%parallel_loop3A_97] {strides = array<i32>} : memref<26176xf32, #tpu.memory_space<vmem>>, vector<16xf32>,
      %parallel_loop3A_99 = arith.mulf %parallel_loop3A_98, %get3A_21 : vector<16xf32>
      %parallel_loop3A_100 = arith.index_cast %parallel_loop3A_96 : i32 to index
      %parallel_loop3A_101 = tpu.vector_load %arg6[%parallel_loop3A_100] {strides = array<i32>} : memref<26176xf32, #tpu.memory_space<vmem>>, vector<16xf32>,
      tpu.vector_store %arg6[%parallel_loop3A_100], %parallel_loop3A_99 {strides = array<i32>} : memref<26176xf32, #tpu.memory_space<vmem>>, vector<16xf32>,
    } {sc.loop_unroll_factor = 4 : i64, sc.parallel_access}
    %get3A_25 = arith.constant 2 : i32
    %get3A_26 = arith.index_cast %get3A_25 : i32 to index
    %get3A_27 = arith.constant 0 : index
    %get3A_28 = tpu.vector_load %arg9[%get3A_26, %get3A_27] {strides = array<i32>} : memref<5x16xf32, #tpu.memory_space<vmem>>, vector<16xf32>,
    %parallel_loop3A_29 = arith.constant 0 : i32
    %parallel_loop3A_30 = arith.constant 64 : i32
    %parallel_loop3A_31 = arith.constant 1 : i32
    scf.for %parallel_loop3A_69 = %parallel_loop3A_29 to %parallel_loop3A_30 step %parallel_loop3A_31  : i32 {
      %parallel_loop3A_70 = arith.constant 25 : i32
      %parallel_loop3A_71 = arith.addi %parallel_loop3A_70, %parallel_loop3A_69 : i32
      %parallel_loop3A_72 = arith.constant 64 : i32
      %parallel_loop3A_73 = arith.muli %parallel_loop3A_71, %parallel_loop3A_72 : i32
      %parallel_loop3A_74 = arith.constant 0 : i32
      %parallel_loop3A_75 = arith.addi %parallel_loop3A_73, %parallel_loop3A_74 : i32
      %parallel_loop3A_76 = arith.index_cast %parallel_loop3A_75 : i32 to index
      %parallel_loop3A_77 = tpu.vector_load %arg6[%parallel_loop3A_76] {strides = array<i32>} : memref<26176xf32, #tpu.memory_space<vmem>>, vector<16xf32>,
      %parallel_loop3A_78 = arith.mulf %parallel_loop3A_77, %get3A_28 : vector<16xf32>
      %parallel_loop3A_79 = arith.index_cast %parallel_loop3A_75 : i32 to index
      %parallel_loop3A_80 = tpu.vector_load %arg6[%parallel_loop3A_79] {strides = array<i32>} : memref<26176xf32, #tpu.memory_space<vmem>>, vector<16xf32>,
      tpu.vector_store %arg6[%parallel_loop3A_79], %parallel_loop3A_78 {strides = array<i32>} : memref<26176xf32, #tpu.memory_space<vmem>>, vector<16xf32>,
      %parallel_loop3A_81 = arith.constant 16 : i32
      %parallel_loop3A_82 = arith.addi %parallel_loop3A_73, %parallel_loop3A_81 : i32
      %parallel_loop3A_83 = arith.index_cast %parallel_loop3A_82 : i32 to index
      %parallel_loop3A_84 = tpu.vector_load %arg6[%parallel_loop3A_83] {strides = array<i32>} : memref<26176xf32, #tpu.memory_space<vmem>>, vector<16xf32>,
      %parallel_loop3A_85 = arith.mulf %parallel_loop3A_84, %get3A_28 : vector<16xf32>
      %parallel_loop3A_86 = arith.index_cast %parallel_loop3A_82 : i32 to index
      %parallel_loop3A_87 = tpu.vector_load %arg6[%parallel_loop3A_86] {strides = array<i32>} : memref<26176xf32, #tpu.memory_space<vmem>>, vector<16xf32>,
      tpu.vector_store %arg6[%parallel_loop3A_86], %parallel_loop3A_85 {strides = array<i32>} : memref<26176xf32, #tpu.memory_space<vmem>>, vector<16xf32>,
      %parallel_loop3A_88 = arith.constant 32 : i32
      %parallel_loop3A_89 = arith.addi %parallel_loop3A_73, %parallel_loop3A_88 : i32
      %parallel_loop3A_90 = arith.index_cast %parallel_loop3A_89 : i32 to index
      %parallel_loop3A_91 = tpu.vector_load %arg6[%parallel_loop3A_90] {strides = array<i32>} : memref<26176xf32, #tpu.memory_space<vmem>>, vector<16xf32>,
      %parallel_loop3A_92 = arith.mulf %parallel_loop3A_91, %get3A_28 : vector<16xf32>
      %parallel_loop3A_93 = arith.index_cast %parallel_loop3A_89 : i32 to index
      %parallel_loop3A_94 = tpu.vector_load %arg6[%parallel_loop3A_93] {strides = array<i32>} : memref<26176xf32, #tpu.memory_space<vmem>>, vector<16xf32>,
      tpu.vector_store %arg6[%parallel_loop3A_93], %parallel_loop3A_92 {strides = array<i32>} : memref<26176xf32, #tpu.memory_space<vmem>>, vector<16xf32>,
      %parallel_loop3A_95 = arith.constant 48 : i32
      %parallel_loop3A_96 = arith.addi %parallel_loop3A_73, %parallel_loop3A_95 : i32
      %parallel_loop3A_97 = arith.index_cast %parallel_loop3A_96 : i32 to index
      %parallel_loop3A_98 = tpu.vector_load %arg6[%parallel_loop3A_97] {strides = array<i32>} : memref<26176xf32, #tpu.memory_space<vmem>>, vector<16xf32>,
      %parallel_loop3A_99 = arith.mulf %parallel_loop3A_98, %get3A_28 : vector<16xf32>
      %parallel_loop3A_100 = arith.index_cast %parallel_loop3A_96 : i32 to index
      %parallel_loop3A_101 = tpu.vector_load %arg6[%parallel_loop3A_100] {strides = array<i32>} : memref<26176xf32, #tpu.memory_space<vmem>>, vector<16xf32>,
      tpu.vector_store %arg6[%parallel_loop3A_100], %parallel_loop3A_99 {strides = array<i32>} : memref<26176xf32, #tpu.memory_space<vmem>>, vector<16xf32>,
    } {sc.loop_unroll_factor = 4 : i64, sc.parallel_access}
    %get3A_32 = arith.constant 3 : i32
    %get3A_33 = arith.index_cast %get3A_32 : i32 to index
    %get3A_34 = arith.constant 0 : index
    %get3A_35 = tpu.vector_load %arg9[%get3A_33, %get3A_34] {strides = array<i32>} : memref<5x16xf32, #tpu.memory_space<vmem>>, vector<16xf32>,
    %parallel_loop3A_36 = arith.constant 0 : i32
    %parallel_loop3A_37 = arith.constant 64 : i32
    %parallel_loop3A_38 = arith.constant 1 : i32
    scf.for %parallel_loop3A_69 = %parallel_loop3A_36 to %parallel_loop3A_37 step %parallel_loop3A_38  : i32 {
      %parallel_loop3A_70 = arith.constant 89 : i32
      %parallel_loop3A_71 = arith.addi %parallel_loop3A_70, %parallel_loop3A_69 : i32
      %parallel_loop3A_72 = arith.constant 64 : i32
      %parallel_loop3A_73 = arith.muli %parallel_loop3A_71, %parallel_loop3A_72 : i32
      %parallel_loop3A_74 = arith.constant 0 : i32
      %parallel_loop3A_75 = arith.addi %parallel_loop3A_73, %parallel_loop3A_74 : i32
      %parallel_loop3A_76 = arith.index_cast %parallel_loop3A_75 : i32 to index
      %parallel_loop3A_77 = tpu.vector_load %arg6[%parallel_loop3A_76] {strides = array<i32>} : memref<26176xf32, #tpu.memory_space<vmem>>, vector<16xf32>,
      %parallel_loop3A_78 = arith.mulf %parallel_loop3A_77, %get3A_35 : vector<16xf32>
      %parallel_loop3A_79 = arith.index_cast %parallel_loop3A_75 : i32 to index
      %parallel_loop3A_80 = tpu.vector_load %arg6[%parallel_loop3A_79] {strides = array<i32>} : memref<26176xf32, #tpu.memory_space<vmem>>, vector<16xf32>,
      tpu.vector_store %arg6[%parallel_loop3A_79], %parallel_loop3A_78 {strides = array<i32>} : memref<26176xf32, #tpu.memory_space<vmem>>, vector<16xf32>,
      %parallel_loop3A_81 = arith.constant 16 : i32
      %parallel_loop3A_82 = arith.addi %parallel_loop3A_73, %parallel_loop3A_81 : i32
      %parallel_loop3A_83 = arith.index_cast %parallel_loop3A_82 : i32 to index
      %parallel_loop3A_84 = tpu.vector_load %arg6[%parallel_loop3A_83] {strides = array<i32>} : memref<26176xf32, #tpu.memory_space<vmem>>, vector<16xf32>,
      %parallel_loop3A_85 = arith.mulf %parallel_loop3A_84, %get3A_35 : vector<16xf32>
      %parallel_loop3A_86 = arith.index_cast %parallel_loop3A_82 : i32 to index
      %parallel_loop3A_87 = tpu.vector_load %arg6[%parallel_loop3A_86] {strides = array<i32>} : memref<26176xf32, #tpu.memory_space<vmem>>, vector<16xf32>,
      tpu.vector_store %arg6[%parallel_loop3A_86], %parallel_loop3A_85 {strides = array<i32>} : memref<26176xf32, #tpu.memory_space<vmem>>, vector<16xf32>,
      %parallel_loop3A_88 = arith.constant 32 : i32
      %parallel_loop3A_89 = arith.addi %parallel_loop3A_73, %parallel_loop3A_88 : i32
      %parallel_loop3A_90 = arith.index_cast %parallel_loop3A_89 : i32 to index
      %parallel_loop3A_91 = tpu.vector_load %arg6[%parallel_loop3A_90] {strides = array<i32>} : memref<26176xf32, #tpu.memory_space<vmem>>, vector<16xf32>,
      %parallel_loop3A_92 = arith.mulf %parallel_loop3A_91, %get3A_35 : vector<16xf32>
      %parallel_loop3A_93 = arith.index_cast %parallel_loop3A_89 : i32 to index
      %parallel_loop3A_94 = tpu.vector_load %arg6[%parallel_loop3A_93] {strides = array<i32>} : memref<26176xf32, #tpu.memory_space<vmem>>, vector<16xf32>,
      tpu.vector_store %arg6[%parallel_loop3A_93], %parallel_loop3A_92 {strides = array<i32>} : memref<26176xf32, #tpu.memory_space<vmem>>, vector<16xf32>,
      %parallel_loop3A_95 = arith.constant 48 : i32
      %parallel_loop3A_96 = arith.addi %parallel_loop3A_73, %parallel_loop3A_95 : i32
      %parallel_loop3A_97 = arith.index_cast %parallel_loop3A_96 : i32 to index
      %parallel_loop3A_98 = tpu.vector_load %arg6[%parallel_loop3A_97] {strides = array<i32>} : memref<26176xf32, #tpu.memory_space<vmem>>, vector<16xf32>,
      %parallel_loop3A_99 = arith.mulf %parallel_loop3A_98, %get3A_35 : vector<16xf32>
      %parallel_loop3A_100 = arith.index_cast %parallel_loop3A_96 : i32 to index
      %parallel_loop3A_101 = tpu.vector_load %arg6[%parallel_loop3A_100] {strides = array<i32>} : memref<26176xf32, #tpu.memory_space<vmem>>, vector<16xf32>,
      tpu.vector_store %arg6[%parallel_loop3A_100], %parallel_loop3A_99 {strides = array<i32>} : memref<26176xf32, #tpu.memory_space<vmem>>, vector<16xf32>,
    } {sc.loop_unroll_factor = 4 : i64, sc.parallel_access}
    %get3A_39 = arith.constant 4 : i32
    %get3A_40 = arith.index_cast %get3A_39 : i32 to index
    %get3A_41 = arith.constant 0 : index
    %get3A_42 = tpu.vector_load %arg9[%get3A_40, %get3A_41] {strides = array<i32>} : memref<5x16xf32, #tpu.memory_space<vmem>>, vector<16xf32>,
    %parallel_loop3A_43 = arith.constant 0 : i32
    %parallel_loop3A_44 = arith.constant 256 : i32
    %parallel_loop3A_45 = arith.constant 1 : i32
    scf.for %parallel_loop3A_69 = %parallel_loop3A_43 to %parallel_loop3A_44 step %parallel_loop3A_45  : i32 {
      %parallel_loop3A_70 = arith.constant 153 : i32
      %parallel_loop3A_71 = arith.addi %parallel_loop3A_70, %parallel_loop3A_69 : i32
      %parallel_loop3A_72 = arith.constant 64 : i32
      %parallel_loop3A_73 = arith.muli %parallel_loop3A_71, %parallel_loop3A_72 : i32
      %parallel_loop3A_74 = arith.constant 0 : i32
      %parallel_loop3A_75 = arith.addi %parallel_loop3A_73, %parallel_loop3A_74 : i32
      %parallel_loop3A_76 = arith.index_cast %parallel_loop3A_75 : i32 to index
      %parallel_loop3A_77 = tpu.vector_load %arg6[%parallel_loop3A_76] {strides = array<i32>} : memref<26176xf32, #tpu.memory_space<vmem>>, vector<16xf32>,
      %parallel_loop3A_78 = arith.mulf %parallel_loop3A_77, %get3A_42 : vector<16xf32>
      %parallel_loop3A_79 = arith.index_cast %parallel_loop3A_75 : i32 to index
      %parallel_loop3A_80 = tpu.vector_load %arg6[%parallel_loop3A_79] {strides = array<i32>} : memref<26176xf32, #tpu.memory_space<vmem>>, vector<16xf32>,
      tpu.vector_store %arg6[%parallel_loop3A_79], %parallel_loop3A_78 {strides = array<i32>} : memref<26176xf32, #tpu.memory_space<vmem>>, vector<16xf32>,
      %parallel_loop3A_81 = arith.constant 16 : i32
      %parallel_loop3A_82 = arith.addi %parallel_loop3A_73, %parallel_loop3A_81 : i32
      %parallel_loop3A_83 = arith.index_cast %parallel_loop3A_82 : i32 to index
      %parallel_loop3A_84 = tpu.vector_load %arg6[%parallel_loop3A_83] {strides = array<i32>} : memref<26176xf32, #tpu.memory_space<vmem>>, vector<16xf32>,
      %parallel_loop3A_85 = arith.mulf %parallel_loop3A_84, %get3A_42 : vector<16xf32>
      %parallel_loop3A_86 = arith.index_cast %parallel_loop3A_82 : i32 to index
      %parallel_loop3A_87 = tpu.vector_load %arg6[%parallel_loop3A_86] {strides = array<i32>} : memref<26176xf32, #tpu.memory_space<vmem>>, vector<16xf32>,
      tpu.vector_store %arg6[%parallel_loop3A_86], %parallel_loop3A_85 {strides = array<i32>} : memref<26176xf32, #tpu.memory_space<vmem>>, vector<16xf32>,
      %parallel_loop3A_88 = arith.constant 32 : i32
      %parallel_loop3A_89 = arith.addi %parallel_loop3A_73, %parallel_loop3A_88 : i32
      %parallel_loop3A_90 = arith.index_cast %parallel_loop3A_89 : i32 to index
      %parallel_loop3A_91 = tpu.vector_load %arg6[%parallel_loop3A_90] {strides = array<i32>} : memref<26176xf32, #tpu.memory_space<vmem>>, vector<16xf32>,
      %parallel_loop3A_92 = arith.mulf %parallel_loop3A_91, %get3A_42 : vector<16xf32>
      %parallel_loop3A_93 = arith.index_cast %parallel_loop3A_89 : i32 to index
      %parallel_loop3A_94 = tpu.vector_load %arg6[%parallel_loop3A_93] {strides = array<i32>} : memref<26176xf32, #tpu.memory_space<vmem>>, vector<16xf32>,
      tpu.vector_store %arg6[%parallel_loop3A_93], %parallel_loop3A_92 {strides = array<i32>} : memref<26176xf32, #tpu.memory_space<vmem>>, vector<16xf32>,
      %parallel_loop3A_95 = arith.constant 48 : i32
      %parallel_loop3A_96 = arith.addi %parallel_loop3A_73, %parallel_loop3A_95 : i32
      %parallel_loop3A_97 = arith.index_cast %parallel_loop3A_96 : i32 to index
      %parallel_loop3A_98 = tpu.vector_load %arg6[%parallel_loop3A_97] {strides = array<i32>} : memref<26176xf32, #tpu.memory_space<vmem>>, vector<16xf32>,
      %parallel_loop3A_99 = arith.mulf %parallel_loop3A_98, %get3A_42 : vector<16xf32>
      %parallel_loop3A_100 = arith.index_cast %parallel_loop3A_96 : i32 to index
      %parallel_loop3A_101 = tpu.vector_load %arg6[%parallel_loop3A_100] {strides = array<i32>} : memref<26176xf32, #tpu.memory_space<vmem>>, vector<16xf32>,
      tpu.vector_store %arg6[%parallel_loop3A_100], %parallel_loop3A_99 {strides = array<i32>} : memref<26176xf32, #tpu.memory_space<vmem>>, vector<16xf32>,
    } {sc.loop_unroll_factor = 4 : i64, sc.parallel_access}
    %parallel_loop3A_46 = arith.constant 0 : i32
    %parallel_loop3A_47 = arith.constant 64 : i32
    %parallel_loop3A_48 = arith.constant 1 : i32
    scf.for %parallel_loop3A_69 = %parallel_loop3A_46 to %parallel_loop3A_47 step %parallel_loop3A_48  : i32 {
      %parallel_loop3A_70 = arith.constant 16 : i32
      %parallel_loop3A_71 = arith.muli %parallel_loop3A_69, %parallel_loop3A_70 : i32
      %parallel_loop3A_72 = arith.constant 0 : i32
      %parallel_loop3A_73 = arith.addi %parallel_loop3A_72, %parallel_loop3A_71 : i32
      %parallel_loop3A_74 = arith.index_cast %parallel_loop3A_73 : i32 to index
      %parallel_loop3A_75 = tpu.vector_load %arg7[%parallel_loop3A_74] {strides = array<i32>} : memref<5120xi32, #tpu.memory_space<vmem>>, vector<16xi32>,
      %parallel_loop3A_76 = arith.constant 0 : i32
      %parallel_loop3A_77 = vector.broadcast %parallel_loop3A_76 : i32 to vector<16xi32>
      %parallel_loop3A_78 = arith.maxsi %parallel_loop3A_75, %parallel_loop3A_77 : vector<16xi32>
      %parallel_loop3A_79 = arith.constant 8 : i32
      %parallel_loop3A_80 = vector.broadcast %parallel_loop3A_79 : i32 to vector<16xi32>
      %parallel_loop3A_81 = arith.minsi %parallel_loop3A_78, %parallel_loop3A_80 : vector<16xi32>
      %parallel_loop3A_82 = arith.constant 0 : i32
      %parallel_loop3A_83 = vector.broadcast %parallel_loop3A_82 : i32 to vector<16xi32>
      %parallel_loop3A_84 = arith.addi %parallel_loop3A_81, %parallel_loop3A_83 : vector<16xi32>
      %parallel_loop3A_85 = arith.constant 64 : i32
      %parallel_loop3A_86 = vector.broadcast %parallel_loop3A_85 : i32 to vector<16xi32>
      %parallel_loop3A_87 = arith.muli %parallel_loop3A_84, %parallel_loop3A_86 : vector<16xi32>
      %parallel_loop3A_88 = arith.index_cast %parallel_loop3A_73 : i32 to index
      %parallel_loop3A_89 = tpu.vector_load %arg7[%parallel_loop3A_88] {strides = array<i32>} : memref<5120xi32, #tpu.memory_space<vmem>>, vector<16xi32>,
      tpu.vector_store %arg7[%parallel_loop3A_88], %parallel_loop3A_87 {strides = array<i32>} : memref<5120xi32, #tpu.memory_space<vmem>>, vector<16xi32>,
    } {sc.loop_unroll_factor = 4 : i64, sc.parallel_access}
    %parallel_loop3A_49 = arith.constant 0 : i32
    %parallel_loop3A_50 = arith.constant 64 : i32
    %parallel_loop3A_51 = arith.constant 1 : i32
    scf.for %parallel_loop3A_69 = %parallel_loop3A_49 to %parallel_loop3A_50 step %parallel_loop3A_51  : i32 {
      %parallel_loop3A_70 = arith.constant 16 : i32
      %parallel_loop3A_71 = arith.muli %parallel_loop3A_69, %parallel_loop3A_70 : i32
      %parallel_loop3A_72 = arith.constant 1024 : i32
      %parallel_loop3A_73 = arith.addi %parallel_loop3A_72, %parallel_loop3A_71 : i32
      %parallel_loop3A_74 = arith.index_cast %parallel_loop3A_73 : i32 to index
      %parallel_loop3A_75 = tpu.vector_load %arg7[%parallel_loop3A_74] {strides = array<i32>} : memref<5120xi32, #tpu.memory_space<vmem>>, vector<16xi32>,
      %parallel_loop3A_76 = arith.constant 0 : i32
      %parallel_loop3A_77 = vector.broadcast %parallel_loop3A_76 : i32 to vector<16xi32>
      %parallel_loop3A_78 = arith.maxsi %parallel_loop3A_75, %parallel_loop3A_77 : vector<16xi32>
      %parallel_loop3A_79 = arith.constant 15 : i32
      %parallel_loop3A_80 = vector.broadcast %parallel_loop3A_79 : i32 to vector<16xi32>
      %parallel_loop3A_81 = arith.minsi %parallel_loop3A_78, %parallel_loop3A_80 : vector<16xi32>
      %parallel_loop3A_82 = arith.constant 9 : i32
      %parallel_loop3A_83 = vector.broadcast %parallel_loop3A_82 : i32 to vector<16xi32>
      %parallel_loop3A_84 = arith.addi %parallel_loop3A_81, %parallel_loop3A_83 : vector<16xi32>
      %parallel_loop3A_85 = arith.constant 64 : i32
      %parallel_loop3A_86 = vector.broadcast %parallel_loop3A_85 : i32 to vector<16xi32>
      %parallel_loop3A_87 = arith.muli %parallel_loop3A_84, %parallel_loop3A_86 : vector<16xi32>
      %parallel_loop3A_88 = arith.index_cast %parallel_loop3A_73 : i32 to index
      %parallel_loop3A_89 = tpu.vector_load %arg7[%parallel_loop3A_88] {strides = array<i32>} : memref<5120xi32, #tpu.memory_space<vmem>>, vector<16xi32>,
      tpu.vector_store %arg7[%parallel_loop3A_88], %parallel_loop3A_87 {strides = array<i32>} : memref<5120xi32, #tpu.memory_space<vmem>>, vector<16xi32>,
    } {sc.loop_unroll_factor = 4 : i64, sc.parallel_access}
    %parallel_loop3A_52 = arith.constant 0 : i32
    %parallel_loop3A_53 = arith.constant 64 : i32
    %parallel_loop3A_54 = arith.constant 1 : i32
    scf.for %parallel_loop3A_69 = %parallel_loop3A_52 to %parallel_loop3A_53 step %parallel_loop3A_54  : i32 {
      %parallel_loop3A_70 = arith.constant 16 : i32
      %parallel_loop3A_71 = arith.muli %parallel_loop3A_69, %parallel_loop3A_70 : i32
      %parallel_loop3A_72 = arith.constant 2048 : i32
      %parallel_loop3A_73 = arith.addi %parallel_loop3A_72, %parallel_loop3A_71 : i32
      %parallel_loop3A_74 = arith.index_cast %parallel_loop3A_73 : i32 to index
      %parallel_loop3A_75 = tpu.vector_load %arg7[%parallel_loop3A_74] {strides = array<i32>} : memref<5120xi32, #tpu.memory_space<vmem>>, vector<16xi32>,
      %parallel_loop3A_76 = arith.constant 0 : i32
      %parallel_loop3A_77 = vector.broadcast %parallel_loop3A_76 : i32 to vector<16xi32>
      %parallel_loop3A_78 = arith.maxsi %parallel_loop3A_75, %parallel_loop3A_77 : vector<16xi32>
      %parallel_loop3A_79 = arith.constant 63 : i32
      %parallel_loop3A_80 = vector.broadcast %parallel_loop3A_79 : i32 to vector<16xi32>
      %parallel_loop3A_81 = arith.minsi %parallel_loop3A_78, %parallel_loop3A_80 : vector<16xi32>
      %parallel_loop3A_82 = arith.constant 25 : i32
      %parallel_loop3A_83 = vector.broadcast %parallel_loop3A_82 : i32 to vector<16xi32>
      %parallel_loop3A_84 = arith.addi %parallel_loop3A_81, %parallel_loop3A_83 : vector<16xi32>
      %parallel_loop3A_85 = arith.constant 64 : i32
      %parallel_loop3A_86 = vector.broadcast %parallel_loop3A_85 : i32 to vector<16xi32>
      %parallel_loop3A_87 = arith.muli %parallel_loop3A_84, %parallel_loop3A_86 : vector<16xi32>
      %parallel_loop3A_88 = arith.index_cast %parallel_loop3A_73 : i32 to index
      %parallel_loop3A_89 = tpu.vector_load %arg7[%parallel_loop3A_88] {strides = array<i32>} : memref<5120xi32, #tpu.memory_space<vmem>>, vector<16xi32>,
      tpu.vector_store %arg7[%parallel_loop3A_88], %parallel_loop3A_87 {strides = array<i32>} : memref<5120xi32, #tpu.memory_space<vmem>>, vector<16xi32>,
    } {sc.loop_unroll_factor = 4 : i64, sc.parallel_access}
    %parallel_loop3A_55 = arith.constant 0 : i32
    %parallel_loop3A_56 = arith.constant 64 : i32
    %parallel_loop3A_57 = arith.constant 1 : i32
    scf.for %parallel_loop3A_69 = %parallel_loop3A_55 to %parallel_loop3A_56 step %parallel_loop3A_57  : i32 {
      %parallel_loop3A_70 = arith.constant 16 : i32
      %parallel_loop3A_71 = arith.muli %parallel_loop3A_69, %parallel_loop3A_70 : i32
      %parallel_loop3A_72 = arith.constant 3072 : i32
      %parallel_loop3A_73 = arith.addi %parallel_loop3A_72, %parallel_loop3A_71 : i32
      %parallel_loop3A_74 = arith.index_cast %parallel_loop3A_73 : i32 to index
      %parallel_loop3A_75 = tpu.vector_load %arg7[%parallel_loop3A_74] {strides = array<i32>} : memref<5120xi32, #tpu.memory_space<vmem>>, vector<16xi32>,
      %parallel_loop3A_76 = arith.constant 0 : i32
      %parallel_loop3A_77 = vector.broadcast %parallel_loop3A_76 : i32 to vector<16xi32>
      %parallel_loop3A_78 = arith.maxsi %parallel_loop3A_75, %parallel_loop3A_77 : vector<16xi32>
      %parallel_loop3A_79 = arith.constant 63 : i32
      %parallel_loop3A_80 = vector.broadcast %parallel_loop3A_79 : i32 to vector<16xi32>
      %parallel_loop3A_81 = arith.minsi %parallel_loop3A_78, %parallel_loop3A_80 : vector<16xi32>
      %parallel_loop3A_82 = arith.constant 89 : i32
      %parallel_loop3A_83 = vector.broadcast %parallel_loop3A_82 : i32 to vector<16xi32>
      %parallel_loop3A_84 = arith.addi %parallel_loop3A_81, %parallel_loop3A_83 : vector<16xi32>
      %parallel_loop3A_85 = arith.constant 64 : i32
      %parallel_loop3A_86 = vector.broadcast %parallel_loop3A_85 : i32 to vector<16xi32>
      %parallel_loop3A_87 = arith.muli %parallel_loop3A_84, %parallel_loop3A_86 : vector<16xi32>
      %parallel_loop3A_88 = arith.index_cast %parallel_loop3A_73 : i32 to index
      %parallel_loop3A_89 = tpu.vector_load %arg7[%parallel_loop3A_88] {strides = array<i32>} : memref<5120xi32, #tpu.memory_space<vmem>>, vector<16xi32>,
      tpu.vector_store %arg7[%parallel_loop3A_88], %parallel_loop3A_87 {strides = array<i32>} : memref<5120xi32, #tpu.memory_space<vmem>>, vector<16xi32>,
    } {sc.loop_unroll_factor = 4 : i64, sc.parallel_access}
    %parallel_loop3A_58 = arith.constant 0 : i32
    %parallel_loop3A_59 = arith.constant 64 : i32
    %parallel_loop3A_60 = arith.constant 1 : i32
    scf.for %parallel_loop3A_69 = %parallel_loop3A_58 to %parallel_loop3A_59 step %parallel_loop3A_60  : i32 {
      %parallel_loop3A_70 = arith.constant 16 : i32
      %parallel_loop3A_71 = arith.muli %parallel_loop3A_69, %parallel_loop3A_70 : i32
      %parallel_loop3A_72 = arith.constant 4096 : i32
      %parallel_loop3A_73 = arith.addi %parallel_loop3A_72, %parallel_loop3A_71 : i32
      %parallel_loop3A_74 = arith.index_cast %parallel_loop3A_73 : i32 to index
      %parallel_loop3A_75 = tpu.vector_load %arg7[%parallel_loop3A_74] {strides = array<i32>} : memref<5120xi32, #tpu.memory_space<vmem>>, vector<16xi32>,
      %parallel_loop3A_76 = arith.constant 0 : i32
      %parallel_loop3A_77 = vector.broadcast %parallel_loop3A_76 : i32 to vector<16xi32>
      %parallel_loop3A_78 = arith.maxsi %parallel_loop3A_75, %parallel_loop3A_77 : vector<16xi32>
      %parallel_loop3A_79 = arith.constant 255 : i32
      %parallel_loop3A_80 = vector.broadcast %parallel_loop3A_79 : i32 to vector<16xi32>
      %parallel_loop3A_81 = arith.minsi %parallel_loop3A_78, %parallel_loop3A_80 : vector<16xi32>
      %parallel_loop3A_82 = arith.constant 153 : i32
      %parallel_loop3A_83 = vector.broadcast %parallel_loop3A_82 : i32 to vector<16xi32>
      %parallel_loop3A_84 = arith.addi %parallel_loop3A_81, %parallel_loop3A_83 : vector<16xi32>
      %parallel_loop3A_85 = arith.constant 64 : i32
      %parallel_loop3A_86 = vector.broadcast %parallel_loop3A_85 : i32 to vector<16xi32>
      %parallel_loop3A_87 = arith.muli %parallel_loop3A_84, %parallel_loop3A_86 : vector<16xi32>
      %parallel_loop3A_88 = arith.index_cast %parallel_loop3A_73 : i32 to index
      %parallel_loop3A_89 = tpu.vector_load %arg7[%parallel_loop3A_88] {strides = array<i32>} : memref<5120xi32, #tpu.memory_space<vmem>>, vector<16xi32>,
      tpu.vector_store %arg7[%parallel_loop3A_88], %parallel_loop3A_87 {strides = array<i32>} : memref<5120xi32, #tpu.memory_space<vmem>>, vector<16xi32>,
    } {sc.loop_unroll_factor = 4 : i64, sc.parallel_access}
    %iota3A = tpu.iota {dimensions = array<i32: 0>} : vector<16xi32>
    %mul3A_61 = arith.constant 64 : i32
    %mul3A_62 = vector.broadcast %mul3A_61 : i32 to vector<16xi32>
    %mul3A_63 = arith.muli %iota3A, %mul3A_62 : vector<16xi32>
    %parallel_loop3A_64 = arith.constant 0 : i32
    %parallel_loop3A_65 = arith.constant 64 : i32
    %parallel_loop3A_66 = arith.constant 1 : i32
    scf.for %parallel_loop3A_69 = %parallel_loop3A_64 to %parallel_loop3A_65 step %parallel_loop3A_66  : i32 {
      %parallel_loop3A_70 = arith.constant 1024 : i32
      %parallel_loop3A_71 = arith.muli %parallel_loop3A_69, %parallel_loop3A_70 : i32
      %parallel_loop3A_72 = vector.broadcast %parallel_loop3A_71 : i32 to vector<16xi32>
      %parallel_loop3A_73 = arith.addi %parallel_loop3A_72, %mul3A_63 : vector<16xi32>
      %parallel_loop3A_74 = arith.constant 16 : i32
      %parallel_loop3A_75 = arith.muli %parallel_loop3A_69, %parallel_loop3A_74 : i32
      %parallel_loop3A_76 = arith.constant 0 : i32
      %parallel_loop3A_77 = arith.addi %parallel_loop3A_76, %parallel_loop3A_75 : i32
      %parallel_loop3A_78 = arith.index_cast %parallel_loop3A_77 : i32 to index
      %parallel_loop3A_79 = tpu.vector_load %arg7[%parallel_loop3A_78] {strides = array<i32>} : memref<5120xi32, #tpu.memory_space<vmem>>, vector<16xi32>,
      %parallel_loop3A_80 = arith.constant 16 : i32
      %parallel_loop3A_81 = arith.muli %parallel_loop3A_69, %parallel_loop3A_80 : i32
      %parallel_loop3A_82 = arith.constant 1024 : i32
      %parallel_loop3A_83 = arith.addi %parallel_loop3A_82, %parallel_loop3A_81 : i32
      %parallel_loop3A_84 = arith.index_cast %parallel_loop3A_83 : i32 to index
      %parallel_loop3A_85 = tpu.vector_load %arg7[%parallel_loop3A_84] {strides = array<i32>} : memref<5120xi32, #tpu.memory_space<vmem>>, vector<16xi32>,
      %parallel_loop3A_86 = arith.constant 16 : i32
      %parallel_loop3A_87 = arith.muli %parallel_loop3A_69, %parallel_loop3A_86 : i32
      %parallel_loop3A_88 = arith.constant 2048 : i32
      %parallel_loop3A_89 = arith.addi %parallel_loop3A_88, %parallel_loop3A_87 : i32
      %parallel_loop3A_90 = arith.index_cast %parallel_loop3A_89 : i32 to index
      %parallel_loop3A_91 = tpu.vector_load %arg7[%parallel_loop3A_90] {strides = array<i32>} : memref<5120xi32, #tpu.memory_space<vmem>>, vector<16xi32>,
      %parallel_loop3A_92 = arith.constant 16 : i32
      %parallel_loop3A_93 = arith.muli %parallel_loop3A_69, %parallel_loop3A_92 : i32
      %parallel_loop3A_94 = arith.constant 3072 : i32
      %parallel_loop3A_95 = arith.addi %parallel_loop3A_94, %parallel_loop3A_93 : i32
      %parallel_loop3A_96 = arith.index_cast %parallel_loop3A_95 : i32 to index
      %parallel_loop3A_97 = tpu.vector_load %arg7[%parallel_loop3A_96] {strides = array<i32>} : memref<5120xi32, #tpu.memory_space<vmem>>, vector<16xi32>,
      %parallel_loop3A_98 = arith.constant 16 : i32
      %parallel_loop3A_99 = arith.muli %parallel_loop3A_69, %parallel_loop3A_98 : i32
      %parallel_loop3A_100 = arith.constant 4096 : i32
      %parallel_loop3A_101 = arith.addi %parallel_loop3A_100, %parallel_loop3A_99 : i32
      %parallel_loop3A_102 = arith.index_cast %parallel_loop3A_101 : i32 to index
      %parallel_loop3A_103 = tpu.vector_load %arg7[%parallel_loop3A_102] {strides = array<i32>} : memref<5120xi32, #tpu.memory_space<vmem>>, vector<16xi32>,
      %parallel_loop3A_104 = arith.constant 0 : i32
      %parallel_loop3A_105 = arith.constant 64 : i32
      %parallel_loop3A_106 = arith.constant 1 : i32
      scf.for %parallel_loop3A_107 = %parallel_loop3A_104 to %parallel_loop3A_105 step %parallel_loop3A_106  : i32 {
        %parallel_loop3A_108 = vector.broadcast %parallel_loop3A_107 : i32 to vector<16xi32>
        %parallel_loop3A_109 = arith.addi %parallel_loop3A_108, %iota3A : vector<16xi32>
        %parallel_loop3A_110 = arith.constant 63 : i32
        %parallel_loop3A_111 = vector.broadcast %parallel_loop3A_110 : i32 to vector<16xi32>
        %parallel_loop3A_112 = arith.andi %parallel_loop3A_109, %parallel_loop3A_111 : vector<16xi32>
        %parallel_loop3A_113 = arith.addi %parallel_loop3A_79, %parallel_loop3A_112 : vector<16xi32>
        %parallel_loop3A_114 = tpu.vector_load_idx %arg6[%parallel_loop3A_113] : memref<26176xf32, #tpu.memory_space<vmem>>[vector<16xi32>], vector<16xf32>,
        %parallel_loop3A_115 = arith.addi %parallel_loop3A_85, %parallel_loop3A_112 : vector<16xi32>
        %parallel_loop3A_116 = tpu.vector_load_idx %arg6[%parallel_loop3A_115] : memref<26176xf32, #tpu.memory_space<vmem>>[vector<16xi32>], vector<16xf32>,
        %parallel_loop3A_117 = arith.addf %parallel_loop3A_114, %parallel_loop3A_116 : vector<16xf32>
        %parallel_loop3A_118 = arith.addi %parallel_loop3A_91, %parallel_loop3A_112 : vector<16xi32>
        %parallel_loop3A_119 = tpu.vector_load_idx %arg6[%parallel_loop3A_118] : memref<26176xf32, #tpu.memory_space<vmem>>[vector<16xi32>], vector<16xf32>,
        %parallel_loop3A_120 = arith.addf %parallel_loop3A_117, %parallel_loop3A_119 : vector<16xf32>
        %parallel_loop3A_121 = arith.addi %parallel_loop3A_97, %parallel_loop3A_112 : vector<16xi32>
        %parallel_loop3A_122 = tpu.vector_load_idx %arg6[%parallel_loop3A_121] : memref<26176xf32, #tpu.memory_space<vmem>>[vector<16xi32>], vector<16xf32>,
        %parallel_loop3A_123 = arith.addf %parallel_loop3A_120, %parallel_loop3A_122 : vector<16xf32>
        %parallel_loop3A_124 = arith.addi %parallel_loop3A_103, %parallel_loop3A_112 : vector<16xi32>
        %parallel_loop3A_125 = tpu.vector_load_idx %arg6[%parallel_loop3A_124] : memref<26176xf32, #tpu.memory_space<vmem>>[vector<16xi32>], vector<16xf32>,
        %parallel_loop3A_126 = arith.addf %parallel_loop3A_123, %parallel_loop3A_125 : vector<16xf32>
        %parallel_loop3A_127 = arith.addi %parallel_loop3A_73, %parallel_loop3A_112 : vector<16xi32>
        tpu.vector_store_idx %arg8[%parallel_loop3A_127], %parallel_loop3A_126 : memref<65536xf32, #tpu.memory_space<vmem>>[vector<16xi32>], vector<16xf32>,
      } {sc.loop_unroll_factor = 8 : i64, sc.parallel_access}
    } {sc.loop_unroll_factor = 1 : i64, sc.parallel_access}
    %mul3A_67 = arith.constant 64 : i32
    %mul3A_68 = arith.muli %mul3A_2, %mul3A_67 : i32
    "tpu.region"() ({
      %run_scoped3A = tpu.sem_alloc : memref<!tpu.dma_semaphore, #tpu.memory_space<semaphore_mem>>
      %dma_start3A = tpu.memref_slice %arg5[%mul3A_68] : memref<2097152xf32, #tpu.memory_space<hbm>> -> memref<65536xf32, #tpu.memory_space<hbm>>
      %dma_start3A_69 = tpu.memref_slice %arg5[%mul3A_68] : memref<2097152xf32, #tpu.memory_space<hbm>> -> memref<65536xf32, #tpu.memory_space<hbm>>
      tpu.enqueue_dma source(%arg8 : memref<65536xf32, #tpu.memory_space<vmem>>) target(%dma_start3A_69 : memref<65536xf32, #tpu.memory_space<hbm>>) target_semaphore(%run_scoped3A : memref<!tpu.dma_semaphore, #tpu.memory_space<semaphore_mem>>)
      %dma_wait3A = tpu.memref_slice %arg5[%mul3A_68] : memref<2097152xf32, #tpu.memory_space<hbm>> -> memref<65536xf32, #tpu.memory_space<hbm>>
      %dma_wait3A_70 = tpu.memref_slice %arg5[%mul3A_68] : memref<2097152xf32, #tpu.memory_space<hbm>> -> memref<65536xf32, #tpu.memory_space<hbm>>
      tpu.wait_dma2 semaphore(%run_scoped3A : memref<!tpu.dma_semaphore, #tpu.memory_space<semaphore_mem>>) src(%arg8 : memref<65536xf32, #tpu.memory_space<vmem>>) dst(%dma_wait3A_70 : memref<65536xf32, #tpu.memory_space<hbm>>)
      tpu.yield
    }) : () -> ()
    return
  }
}

module attributes {stable_mosaic.version = 14 : i64} {
  func.func @mm(%arg0: i32, %arg1: memref<4096x64xf32, #tpu.memory_space<vmem>>, %arg2: memref<64x1024xf32, #tpu.memory_space<vmem>>, %arg3: memref<4096x1024xf32, #tpu.memory_space<vmem>>) attributes {dimension_semantics = [#tpu.dimension_semantics<arbitrary>], iteration_bounds = array<i64: 8>, scalar_prefetch = 0 : i64, scratch_operands = 0 : i64, tpu.core_type = #tpu.core_type<tc>, window_params = [{transform_indices = @transform_0, window_bounds = array<i64: 4096, 64>}, {pipeline_mode = #tpu.pipeline_mode<synchronous>, transform_indices = @transform_1, window_bounds = array<i64: 64, 1024>}, {transform_indices = @transform_2, window_bounds = array<i64: 4096, 1024>}]} {
    %get3A = arith.constant 0 : index
    %get3A_0 = arith.constant 0 : index
    %get3A_1 = vector.load %arg1[%get3A, %get3A_0] : memref<4096x64xf32, #tpu.memory_space<vmem>>, vector<4096x64xf32>
    %get3A_2 = arith.constant 0 : index
    %get3A_3 = arith.constant 0 : index
    %get3A_4 = vector.load %arg2[%get3A_2, %get3A_3] : memref<64x1024xf32, #tpu.memory_space<vmem>>, vector<64x1024xf32>
    %dot_general3A = arith.constant dense<0.000000e+00> : vector<4096x1024xf32>
    %dot_general3A_5 = tpu.matmul %get3A_1, %get3A_4, %dot_general3A {dimension_numbers = #tpu.dot_dimension_numbers<[1], [0], [0], [1], [0, 0, 1, 1], [], []>, transpose_lhs_hint = false} : vector<4096x64xf32>, vector<64x1024xf32>, vector<4096x1024xf32> -> vector<4096x1024xf32>
    %swap3A = arith.constant 0 : index
    %swap3A_6 = arith.constant 0 : index
    %swap3A_7 = vector.load %arg3[%swap3A, %swap3A_6] : memref<4096x1024xf32, #tpu.memory_space<vmem>>, vector<4096x1024xf32>
    tpu.vector_store %arg3[%swap3A, %swap3A_6], %dot_general3A_5 {strides = array<i32>} : memref<4096x1024xf32, #tpu.memory_space<vmem>>, vector<4096x1024xf32>,
    return
  }
  func.func @transform_0(%arg0: i32) -> (i32, i32) {
    %c0_i32 = arith.constant 0 : i32
    %c0_i32_0 = arith.constant 0 : i32
    return %arg0, %c0_i32 : i32, i32
  }
  func.func @transform_1(%arg0: i32) -> (i32, i32) {
    %c0_i32 = arith.constant 0 : i32
    %c0_i32_0 = arith.constant 0 : i32
    %c0_i32_1 = arith.constant 0 : i32
    return %c0_i32, %c0_i32_0 : i32, i32
  }
  func.func @transform_2(%arg0: i32) -> (i32, i32) {
    %c0_i32 = arith.constant 0 : i32
    %c0_i32_0 = arith.constant 0 : i32
    return %arg0, %c0_i32 : i32, i32
  }
}

</mosaic_0001>

<sc_bundles>
// kernel: kernel.4.cloned.1.call-start
scs
__scs_entry_jumppad:
0x0: {  	(pc) =	sbr.rel $0x88, $3  }
0x1: {  	(tag) =	ssettag $0x0;
	lr =	simm.s32 $0x1  }
0x2: {  	[smem:$0x3F99] =	sst lr;
	_ =	strace $0xD0000000  }
0x3: {  	_ = 	snop  }
0x4: {  	_ = 	snop  }
0x5: {  	_ = 	snop  }
0x6: {  	_ = 	snop  }
0x7: {  	_ = 	snop  }
__scs_overlays_trampoline_lowered:
0x8: {  	[smem:$0x3FA8] =	sst s0  }
0x9: {  	[smem:$0x3FA9] =	sst s1  }
0xa: {  	[smem:$0x3FAA] =	sst s2  }
0xb: {  	[smem:$0x3FAB] =	sst s3  }
0xc: {  	[smem:$0x3FAC] =	sst s4  }
0xd: {  	[smem:$0x3FAD] =	sst s5  }
0xe: {  	[smem:$0x3FAE] =	sst s6  }
0xf: {  	[smem:$0x3FAF] =	sst s7  }
0x10: {  	[smem:$0x3FB0] =	sst s8  }
0x11: {  	[smem:$0x3FB1] =	sst s9;
	s0 =	simm.s32 @!p0 $0x0  }
0x12: {  	s1 =	sld [smem:$0x3F97];
	s0 =	simm.s32 @p0 $0x1  }
0x13: {  	[smem:$0x3FB2] =	sst s0;
	s0 =	simm.s32 @!p1 $0x0  }
0x14: {  	s2 =	sld [smem:$0x3F96];
	s0 =	simm.s32 @p1 $0x1  }
0x15: {  	[smem:$0x3FB3] =	sst s0;
	s0 =	simm.s32 @!p2 $0x0  }
0x16: {  	s3 =	sld [smem:$0x3FDB];
	s0 =	simm.s32 @p2 $0x1  }
0x17: {  	s4 =	simm.s32 $0x1BF5;
	[smem:$0x3FB5] =	sst s0  }
0x18: {  	s0 =	sld [smem:$0x3F98];
	_ =	swait.ge [sflag:s4], $0x0  }
0x19: {  	s7 =	sld [smem:$0x3F99]  }
0x1a: {  	s8 =	sadd.s32 $0xFFFFE003, lr  }
0x1b: {  	s9 =	sadd.s32 $0xFFFFFEF7, lr;
	s5 =	simm.s32 $0xFFFFFFFF;
	p2 =	slt.u32 s8, $0xFFFFF086  }
0x1c: {  	p1 =	slt.u32 s9, $0xF7A;
	s5 =	simm.s32 @!p2 $0x0  }
0x1d: {  	s5 =	simm.s32 @p1 $0x1;
	p0 =	seq.s32 s7, s2  }
0x1e: {  	s7 =	smul.u32 @!p0 $0xF7A, s2;
	p2 =	seq.s32 @!p0 s5, $0x0  }
0x1f: {  	s9 =	smul.u32 $0xF7A, s1;
	s8 =	simm.s32 @!p0 $0x1BF5;
	p2 =	por !p2, p0  }
0x20: {  	[sflag:s8] =	ssyncset.s32 @!p0 $0xFFFFF086;
	s6 =	sadd.s32 @!p0 s3, s7;
	s7 =	simm.s32 @!p0 $0x108  }
0x21: {  	s3 =	sadd.s32 s3, s9;
	s6 =	sadd.s32 @!p0 $0x88, s6;
	s7 =	simm.s32 @p2 $0x1082  }
0x22: {  	[simem:s7], [sflag:s8] =	dma.local @!p0 [hbm:s6], $0xF7A  }
0x23: {  	s9 =	sor.u32 $0xD0000000, s2;
	s6 =	simm.s32 $0x108;
	_ =	swait.ge @!p0 [sflag:s8], $0x0  }
0x24: {  	s3 =	sadd.s32 $0x88, s3;
	s6 =	simm.s32 @!p1 $0x1082;
	[sflag:s4] =	ssyncset.s32 $0xFFFFF086  }
0x25: {  	[simem:s6], [sflag:s4] =	dma.local [hbm:s3], $0xF7A  }
0x26: {  	[smem:$0x3F99] =	sst s1;
	(tag) =	ssettag s2;
	_ =	strace s9  }
0x27: {  	s1 =	sld [smem:$0x3FA9]  }
0x28: {  	s2 =	sld [smem:$0x3FAA]  }
0x29: {  	s4 =	sld [smem:$0x3FAC]  }
0x2a: {  	p0 =	seq.s32 s5, $0x0;
	s5 =	sld [smem:$0x3FAD]  }
0x2b: {  	s6 =	sld [smem:$0x3FAE]  }
0x2c: {  	s7 =	sld [smem:$0x3FAF]  }
0x2d: {  	s3 =	simm.s32 $0x108;
	s8 =	sld [smem:$0x3FB0]  }
0x2e: {  	s3 =	simm.s32 @!p0 $0x1082;
	s9 =	sld [smem:$0x3FB1]  }
0x2f: {  	lr =	sadd.s32 s0, s3;
	s0 =	sld [smem:$0x3FA8]  }
0x30: {  	s3 =	sld [smem:$0x3FAB]  }
0x31: {  	[smem:$0x3FB4] =	sst s10  }
0x32: {  	s10 =	sld [smem:$0x3FB2];
	_ =	sdelay $0x3  }
0x33: {  	p0 =	seq.s32 s10, $0x1;
	s10 =	sld [smem:$0x3FB4];
	_ =	sdelay $0x3  }
0x34: {  	[smem:$0x3FB4] =	sst s10  }
0x35: {  	s10 =	sld [smem:$0x3FB3];
	_ =	sdelay $0x3  }
0x36: {  	p1 =	seq.s32 s10, $0x1;
	s10 =	sld [smem:$0x3FB4];
	_ =	sdelay $0x3  }
0x37: {  	[smem:$0x3FB4] =	sst s10  }
0x38: {  	s10 =	sld [smem:$0x3FB5]  }
0x39: {  	_ = 	snop;
	(pc) =	sbr.ind lr, $3  }
0x3a: {  	_ = 	snop  }
0x3b: {  	_ = 	snop  }
0x3c: {  	p2 =	seq.s32 s10, $0x1;
	s10 =	sld [smem:$0x3FB4]  }
0x3d: {  	_ =	shalt  }
0x3e: {  	_ =	shalt  }
0x3f: {  	_ =	shalt  }
0x40: {  	_ =	shalt  }
0x41: {  	_ =	shalt  }
0x42: {  	_ =	shalt  }
0x43: {  	_ =	shalt  }
0x44: {  	_ =	shalt  }
0x45: {  	_ =	shalt  }
0x46: {  	_ =	shalt  }
0x47: {  	_ =	shalt  }
0x48: {  	_ =	shalt  }
0x49: {  	_ =	shalt  }
0x4a: {  	_ =	shalt  }
0x4b: {  	_ =	shalt  }
0x4c: {  	_ =	shalt  }
0x4d: {  	_ =	shalt  }
0x4e: {  	_ =	shalt  }
0x4f: {  	_ =	shalt  }
0x50: {  	_ =	shalt  }
0x51: {  	_ =	shalt  }
0x52: {  	_ =	shalt  }
0x53: {  	_ =	shalt  }
0x54: {  	_ =	shalt  }
0x55: {  	_ =	shalt  }
0x56: {  	_ =	shalt  }
0x57: {  	_ =	shalt  }
0x58: {  	_ =	shalt  }
0x59: {  	_ =	shalt  }
0x5a: {  	_ =	shalt  }
0x5b: {  	_ =	shalt  }
0x5c: {  	_ =	shalt  }
0x5d: {  	_ =	shalt  }
0x5e: {  	_ =	shalt  }
0x5f: {  	_ =	shalt  }
0x60: {  	_ =	shalt  }
0x61: {  	_ =	shalt  }
0x62: {  	_ =	shalt  }
0x63: {  	_ =	shalt  }
0x64: {  	_ =	shalt  }
0x65: {  	_ =	shalt  }
0x66: {  	_ =	shalt  }
0x67: {  	_ =	shalt  }
0x68: {  	_ =	shalt  }
0x69: {  	_ =	shalt  }
0x6a: {  	_ =	shalt  }
0x6b: {  	_ =	shalt  }
0x6c: {  	_ =	shalt  }
0x6d: {  	_ =	shalt  }
0x6e: {  	_ =	shalt  }
0x6f: {  	_ =	shalt  }
0x70: {  	_ =	shalt  }
0x71: {  	_ =	shalt  }
0x72: {  	_ =	shalt  }
0x73: {  	_ =	shalt  }
0x74: {  	_ =	shalt  }
0x75: {  	_ =	shalt  }
0x76: {  	_ =	shalt  }
0x77: {  	_ =	shalt  }
0x78: {  	_ =	shalt  }
0x79: {  	_ =	shalt  }
0x7a: {  	_ =	shalt  }
0x7b: {  	_ =	shalt  }
0x7c: {  	_ =	shalt  }
0x7d: {  	_ =	shalt  }
0x7e: {  	_ =	shalt  }
0x7f: {  	_ =	shalt  }
0x80: {  	_ =	shalt  }
0x81: {  	_ =	shalt  }
0x82: {  	_ =	shalt  }
0x83: {  	_ =	shalt  }
0x84: {  	_ =	shalt  }
0x85: {  	_ =	shalt  }
0x86: {  	_ =	shalt  }
0x87: {  	_ =	shalt  }
.Lfunc_end0:
.L_simem_size_0:
called_computation_lowered:
.L_overlay_start_0:
0x88: {  	s2 =	sld [smem:$0x3FD9]  }
0x89: {  	s3 =	sld [smem:$0x3FFE];
	_ =	sdelay $0x1  }
0x8a: {  	s1 =	srdreg.scid  }
0x8b: {  	s0 =	sand.u32 $0x1, s1  }
0x8c: {  	s17 =	sshll.u32 s0, $0xA;
	s2 =	sadd.s32 s3, s2  }
0x8d: {  	s2 =	sadd.s32 s2, s17  }
0x8e: {  	[smem:$0x3FC0] =	sst s2  }
0x8f: {  	_ = 	snop  }
0x90: {  	s2 =	sld [smem:$0x3FD0];
	(tm) =	ssettm $0x1  }
0x91: {  	s18 =	sld [smem:$0x3FFB];
	_ =	sdelay $0x3  }
0x92: {  	_ =	strace s18  }
0x93: {  	s3 =	sld [smem:$0x3FFC];
	_ =	sdelay $0x3  }
0x94: {  	_ =	strace s3  }
0x95: {  	s3 =	sld [smem:$0x3FFD];
	_ =	sdelay $0x3  }
0x96: {  	_ =	strace s3  }
0x97: {  	_ =	strace $0x8FFFFFFF  }
0x98: {  	s19 =	sld [smem:$0x3FDB];
	_ =	sdelay $0x1  }
0x99: {  	s4 =	simm.s32 $_scs_section_size  }
0x9a: {  	s5 =	simm.s32 $_size__tile_overlayer_lowered;
	s6 =	simm.s32 $_tile_overlayer_lowered  }
0x9b: {  	s22 =	simm.s32 $0x1BFF;
	s21 =	sshll.u32 s6, $0x1;
	s3 =	sadd.s32 s4, s19  }
0x9c: {  	s7 =	simm.s32 $0x0;
	s20 =	sshll.u32 s5, $0x1;
	s5 =	sadd.s32 s21, s3  }
0x9d: {  	[timem:s7], [sflag:s22] =	dma.local [hbm:s5], s20  }
0x9e: {  	_ =	swait.ge [sflag:s22], s20  }
0x9f: {  	s4 =	ssub.s32 $0x0, s20;
	[sflag:s22] =	ssyncset.done $0x0  }
0xa0: {  	[sflag:s22] =	ssyncadd.s32 s4;
	_ =	sdelay $0x1  }
0xa1: {  	s23 =	simm.s32 $0x1B8B  }
0xa2: {  	_ =	swait.ge [sflag:s23], $0x1  }
0xa3: {  	[sflag:s23] =	ssyncset.done $0x0  }
0xa4: {  	s25 =	simm.s32 $0x1B8E;
	s24 =	sld [smem:$0x3FFE];
	[sflag:s23] =	ssyncadd.s32 $0xFFFFFFFF  }
0xa5: {  	s26 =	simm.s32 $execute0_lowered;
	[smem:$0x3FD2] =	sst s25  }
0xa6: {  	s5 =	sshll.u32 s26, $0x1;
	_ =	strace $0x80000046;
	[dreg:$0x1] =	wrdreg $0xFFFFFFFF  }
0xa7: {  	s28 =	simm.s32 $_size_execute0_lowered;
	s3 =	sadd.s32 s3, s5;
	[dreg:$0x0] =	wrdreg $0x0  }
0xa8: {  	s5 =	sshll.u32 s28, $0x1;
	[dreg:$0x2] =	wrdreg s3  }
0xa9: {  	[dreg:$0x3] =	wrdreg s5  }
0xaa: {  	[dreg:$0x4] =	wrdreg $0xC0  }
0xab: {  	_ =	task [dreg:s7], $0x5FFFF  }
0xac: {  	[dreg:$0x1] =	wrdreg $0xFFFFFFFF  }
0xad: {  	[dreg:$0x0] =	wrdreg $0x60  }
0xae: {  	[dreg:$0x2] =	wrdreg s24  }
0xaf: {  	[dreg:$0x3] =	wrdreg s2  }
0xb0: {  	[dreg:$0x4] =	wrdreg $0x9  }
0xb1: {  	_ =	task.clear_ibuf [dreg:s7], $0x5FFFF;
	_ =	strace $0x90000046  }
0xb2: {  	s29 =	simm.s32 $0x9;
	_ =	strace $0x80000048  }
0xb3: {  	_ =	swait.ge [sflag:s29], $0x1  }
0xb4: {  	[sflag:s29] =	ssyncadd.s32 $0xFFFFFFFF  }
0xb5: {  	_ =	strace $0x90000048  }
0xb6: {  	_ =	sfence  }
0xb7: {  	s30 =	sld [smem:$0x0];
	_ =	sdelay $0x2  }
0xb8: {  	s31 =	sshll.u32 s1, $0xD;
	s1 =	sshrl.u32 s1, $0x2  }
0xb9: {  	s3 =	sand.u32 $0x4000, s31;
	s1 =	sadd.s32 s1, s30  }
0xba: {  	s0 =	sor.u32 s3, s0;
	s1 =	sshll.u32 s1, $0x11  }
0xbb: {  	s0 =	sor.u32 s1, s0  }
0xbc: {  	s0 =	sadd.s32 $0x8F2B, s0  }
0xbd: {  	[sflag:s0] =	ssyncadd.remote.s32 $0x1  }
0xbe: {  	_ =	sfence.sel $0xFFFF  }
0xbf: {  	[dreg:$0x0] =	wrdreg $0xFFFFFFFF;
	(pc) =	sbr.abs _section_cstart, $3  }
0xc0: {  	[dreg:$0x1] =	wrdreg $0xFFFFFFFF  }
0xc1: {  	_ =	task.clear_ibuf [dreg:s7], $0x2FFFF;
	_ =	strace $0x9FFFFFFF  }
0xc2: {  	(tm) =	ssettm $0x7FFFFFFF  }
0xc3: {  	_ =	shalt  }
tec
execute0_lowered:
.L_overlay_start_1:
0x0: {  	(tag) =	ssettag $0x1  }
0x1: {  	v0 =	vimm.s32 $0xC3824100  }
0x2: {  	v0 =	vunpack.c.0.s8.s32 v0;
	_ =	sdelay $0x1  }
0x3: {  	vm0 =	vcmask $0xF00;
	v0 =	vand.u32 $0xFF, v0  }
0x4: {  	s4 =	rddreg [dreg:$0x0];
	s1 =	srdreg.scid;
	vm5 =	vcmask $0x1310;
	v0 =	vnsel vm0, $0x3C7, v0  }
0x5: {  	s0 =	stileid.u32;
	s10 =	rddreg [dreg:$0x1];
	vm6 =	vcmask $0x1714;
	s2 =	simm.s32 $0x0;
	v0 =	vsel vm5, $0x104, v0  }
0x6: {  	vm7 =	vcmask $0x1B18;
	s14 =	simm.s32 $0x6640;
	s15 =	simm.s32 $0x6A40;
	s16 =	simm.s32 $0x6E40;
	v0 =	vsel vm6, $0x145, v0  }
0x7: {  	vm8 =	vcmask $0x1F1C;
	s17 =	simm.s32 $0x7240;
	s18 =	simm.s32 $0x7640;
	s19 =	simm.s32 $0x7A40;
	v0 =	vsel vm7, $0x186, v0  }
0x8: {  	vm9 =	vcmask $0x2320;
	s3 =	sand.u32 $0x1, s1;
	s5 =	sshll.u32 s0, $0x1;
	s1 =	rddreg [dreg:$0x2];
	v0 =	vsel vm8, $0x1C7, v0  }
0x9: {  	vm10 =	vcmask $0x2724;
	s20 =	simm.s32 $0x0;
	[smem:$0x7FF] =	sst s2;
	s9 =	sor.u32 s3, s5;
	v0 =	vsel vm9, $0x200, v0  }
0xa: {  	vm11 =	vcmask $0x2B28;
	_ =	strace $0x80000047;
	s31 =	ssub.s32 $0x2, s3;
	s3 =	sadd.s32 $0xA00, s4;
	v0 =	vsel vm10, $0x241, v0  }
0xb: {  	vm12 =	vcmask $0x2F2C;
	s5 =	sshll.u32 s9, $0x7;
	s6 =	sshrl.u32 s31, $0x1;
	s13 =	sshll.u32 s9, $0xD;
	v0 =	vsel vm11, $0x282, v0  }
0xc: {  	vm13 =	vcmask $0x3330;
	s11 =	sadd.s32 s5, s4;
	s4 =	sadd.s32 $0x800, s4;
	s12 =	ssub.s32 s31, s6;
	v0 =	vsel vm12, $0x2C3, v0  }
0xd: {  	vm14 =	vcmask $0x3734;
	s10 =	sadd.s32 s10, s13;
	s13 =	simm.s32 $0x17A40;
	s5 =	sadd.s32 $0x1800, s11;
	v1 =	vsel vm13, $0x304, v0  }
0xe: {  	vm15 =	vcmask $0x3B38;
	s6 =	sadd.s32 $0x2800, s11;
	s7 =	sadd.s32 $0x3800, s11;
	s8 =	sadd.s32 $0x4800, s11;
	v0 =	vlaneseq.u32;
	v2 =	vsel vm14, $0x345, v1  }
0xf: {  	s9 =	sadd.s32 $0x5800, s11;
	s11 =	smax.u32 s12, $0x1;
	s12 =	simm.s32 $0x1;
	v1 =	vmul.u32 $0x40, v0;
	v2 =	vsel vm15, $0x386, v2  }
.LBB2_1:
0x10: {  	[tilespmem:s2], [sflag:$0x1] =	stream.linear.gather [hbm4b:s3+s2], $0x6640, $0x38;
	[tilespmem:$0x17A90] =	vst v63  }
0x11: {  	_ =	swait.ge [sflag:s12], $0x6640  }
0x12: {  	[sflag:s12] =	ssyncset.done $0x0  }
0x13: {  	[sflag:s12] =	ssyncadd.s32 $0xFFFF99C0  }
0x14: {  	[tilespmem:s13], [sflag:$0x1] =	stream.linear.gather [hbm4b:s4+s2], $0x50, $0x38;
	[tilespmem:$0x17A90] =	vst v63  }
0x15: {  	_ =	swait.ge [sflag:s12], $0x50  }
0x16: {  	[sflag:s12] =	ssyncset.done $0x0  }
0x17: {  	[sflag:s12] =	ssyncadd.s32 $0xFFFFFFB0  }
0x18: {  	[tilespmem:s14], [sflag:$0x1] =	stream.linear.gather [hbm4b:s5+s2], $0x400, $0x38;
	[tilespmem:$0x17A90] =	vst v63  }
0x19: {  	_ =	swait.ge [sflag:s12], $0x400  }
0x1a: {  	[sflag:s12] =	ssyncset.done $0x0  }
0x1b: {  	[sflag:s12] =	ssyncadd.s32 $0xFFFFFC00  }
0x1c: {  	[tilespmem:s15], [sflag:$0x1] =	stream.linear.gather [hbm4b:s6+s2], $0x400, $0x38;
	[tilespmem:$0x17A90] =	vst v63  }
0x1d: {  	_ =	swait.ge [sflag:s12], $0x400  }
0x1e: {  	[sflag:s12] =	ssyncset.done $0x0  }
0x1f: {  	[sflag:s12] =	ssyncadd.s32 $0xFFFFFC00  }
0x20: {  	[tilespmem:s16], [sflag:$0x1] =	stream.linear.gather [hbm4b:s7+s2], $0x400, $0x38;
	[tilespmem:$0x17A90] =	vst v63  }
0x21: {  	_ =	swait.ge [sflag:s12], $0x400  }
0x22: {  	[sflag:s12] =	ssyncset.done $0x0  }
0x23: {  	[sflag:s12] =	ssyncadd.s32 $0xFFFFFC00  }
0x24: {  	[tilespmem:s17], [sflag:$0x1] =	stream.linear.gather [hbm4b:s8+s2], $0x400, $0x38;
	[tilespmem:$0x17A90] =	vst v63  }
0x25: {  	_ =	swait.ge [sflag:s12], $0x400  }
0x26: {  	[sflag:s12] =	ssyncset.done $0x0  }
0x27: {  	[sflag:s12] =	ssyncadd.s32 $0xFFFFFC00  }
0x28: {  	[tilespmem:s18], [sflag:$0x1] =	stream.linear.gather [hbm4b:s9+s2], $0x400, $0x38;
	[tilespmem:$0x17A90] =	vst v63  }
0x29: {  	_ =	swait.ge [sflag:s12], $0x400  }
0x2a: {  	[sflag:s12] =	ssyncset.done $0x0  }
0x2b: {  	[sflag:s12] =	ssyncadd.s32 $0xFFFFFC00  }
0x2c: {  	p0 =	por $0x1, $0x1;
	s21 =	simm.s32 $0x0;
	v3 =	vld [tilespmem:$0x17A40]  }
.LBB2_2:
0x2d: {  	s21 =	sshra.s32 s21, $0x2  }
0x2e: {  	v4 =	vld [tilespmem:s21+$0x0]  }
0x2f: {  	v5 =	vld [tilespmem:s21+$0x10]  }
0x30: {  	v6 =	vld [tilespmem:s21+$0x20]  }
0x31: {  	v7 =	vld [tilespmem:s21+$0x30]  }
0x32: {  	v8 =	vld [tilespmem:s21+$0x40]  }
0x33: {  	v9 =	vld [tilespmem:s21+$0x50];
	v4 =	vmul.f32 v4, v3  }
0x34: {  	v10 =	vld [tilespmem:s21+$0x60];
	v5 =	vmul.f32 v5, v3  }
0x35: {  	v55 =	vld [tilespmem:s21+$0x70];
	[tilespmem:s21+$0x0] =	vst v4;
	v4 =	vmul.f32 v6, v3  }
0x36: {  	v56 =	vld [tilespmem:s21+$0x80];
	[tilespmem:s21+$0x10] =	vst v5;
	v5 =	vmul.f32 v7, v3  }
0x37: {  	v57 =	vld [tilespmem:s21+$0x90];
	[tilespmem:s21+$0x20] =	vst v4;
	v4 =	vmul.f32 v8, v3  }
0x38: {  	v58 =	vld [tilespmem:s21+$0xA0];
	[tilespmem:s21+$0x30] =	vst v5;
	v5 =	vmul.f32 v9, v3  }
0x39: {  	v59 =	vld [tilespmem:s21+$0xB0];
	[tilespmem:s21+$0x40] =	vst v4;
	v4 =	vmul.f32 v10, v3  }
0x3a: {  	v60 =	vld [tilespmem:s21+$0xC0];
	[tilespmem:s21+$0x50] =	vst v5;
	v5 =	vmul.f32 v55, v3  }
0x3b: {  	v61 =	vld [tilespmem:s21+$0xD0];
	[tilespmem:s21+$0x60] =	vst v4;
	v4 =	vmul.f32 v56, v3  }
0x3c: {  	v62 =	vld [tilespmem:s21+$0xE0];
	[tilespmem:s21+$0x70] =	vst v5;
	v5 =	vmul.f32 v57, v3  }
0x3d: {  	v63 =	vld [tilespmem:s21+$0xF0];
	[tilespmem:s21+$0x80] =	vst v4;
	v4 =	vmul.f32 v58, v3  }
0x3e: {  	[tilespmem:s21+$0x90] =	vst v5;
	v5 =	vmul.f32 v59, v3  }
0x3f: {  	p1 =	por p0, p0;
	[tilespmem:s21+$0xA0] =	vst v4;
	v4 =	vmul.f32 v60, v3  }
.Ltmp0:
0x40: {  	[tilespmem:s21+$0xB0] =	vst v5;
	v5 =	vmul.f32 v61, v3;
	(pc) =	sbr.rel @p1 .LBB2_2-.Ltmp0, $4  }
0x41: {  	[tilespmem:s21+$0xC0] =	vst v4;
	v4 =	vmul.f32 v62, v3  }
0x42: {  	[tilespmem:s21+$0xD0] =	vst v5;
	v5 =	vmul.f32 v63, v3  }
0x43: {  	[tilespmem:s21+$0xE0] =	vst v4  }
0x44: {  	p0 =	por $0x0, $0x0;
	[tilespmem:s21+$0xF0] =	vst v5;
	s21 =	simm.s32 $0x400  }
0x45: {  	v4 =	vld [tilespmem:$0x200]  }
0x46: {  	v5 =	vld [tilespmem:$0x210]  }
0x47: {  	v6 =	vld [tilespmem:$0x220]  }
0x48: {  	v7 =	vld [tilespmem:$0x230];
	_ =	sdelay $0x1  }
0x49: {  	v4 =	vmul.f32 v4, v3  }
0x4a: {  	v5 =	vmul.f32 v5, v3  }
0x4b: {  	[tilespmem:$0x200] =	vst v4;
	v4 =	vmul.f32 v6, v3  }
0x4c: {  	[tilespmem:$0x210] =	vst v5;
	v3 =	vmul.f32 v7, v3  }
0x4d: {  	[tilespmem:$0x220] =	vst v4  }
0x4e: {  	s21 =	simm.s32 $0x330;
	[tilespmem:$0x230] =	vst v3;
	v3 =	vld [tilespmem:$0x17A50]  }
0x4f: {  	v4 =	vld [tilespmem:s21+$0x0]  }
0x50: {  	v5 =	vld [tilespmem:s21+$0xFFFFFF20]  }
0x51: {  	v6 =	vld [tilespmem:s21+$0xFFFFFF30]  }
0x52: {  	v7 =	vld [tilespmem:s21+$0xFFFFFF40]  }
0x53: {  	v8 =	vld [tilespmem:s21+$0xFFFFFF50]  }
0x54: {  	v9 =	vld [tilespmem:s21+$0xFFFFFF60];
	v4 =	vmul.f32 v4, v3  }
0x55: {  	v10 =	vld [tilespmem:s21+$0xFFFFFF70];
	v5 =	vmul.f32 v5, v3  }
0x56: {  	v11 =	vld [tilespmem:s21+$0xFFFFFF80];
	v6 =	vmul.f32 v6, v3;
	[tilespmem:s21+$0x0] =	vst v4  }
0x57: {  	[tilespmem:s21+$0xFFFFFF20] =	vst v5;
	v4 =	vmul.f32 v7, v3;
	v7 =	vld [tilespmem:s21+$0xFFFFFF90]  }
0x58: {  	[tilespmem:s21+$0xFFFFFF30] =	vst v6;
	v5 =	vmul.f32 v8, v3;
	v8 =	vld [tilespmem:s21+$0xFFFFFFA0]  }
0x59: {  	v12 =	vld [tilespmem:s21+$0xFFFFFFB0];
	v6 =	vmul.f32 v9, v3;
	[tilespmem:s21+$0xFFFFFF40] =	vst v4  }
0x5a: {  	v9 =	vmul.f32 v10, v3;
	[tilespmem:s21+$0xFFFFFF50] =	vst v5;
	v4 =	vld [tilespmem:s21+$0xFFFFFFC0]  }
0x5b: {  	v10 =	vmul.f32 v11, v3;
	[tilespmem:s21+$0xFFFFFF60] =	vst v6;
	v5 =	vld [tilespmem:s21+$0xFFFFFFD0]  }
0x5c: {  	[tilespmem:s21+$0xFFFFFF70] =	vst v9;
	v6 =	vld [tilespmem:s21+$0xFFFFFFE0];
	v11 =	vmul.f32 v7, v3  }
0x5d: {  	[tilespmem:s21+$0xFFFFFF80] =	vst v10;
	v7 =	vld [tilespmem:s21+$0xFFFFFFF0];
	v9 =	vmul.f32 v8, v3  }
0x5e: {  	s22 =	simm.s32 $0x0;
	s23 =	simm.s32 $0x430;
	v10 =	vmul.f32 v12, v3;
	v8 =	vld [tilespmem:s21+$0xFFFFFF10];
	[tilespmem:s21+$0xFFFFFF90] =	vst v11  }
.LBB2_4:
0x5f: {  	v11 =	vld [tilespmem:s23+$0x0];
	s22 =	sadd.s32 $0x4, s22;
	[tilespmem:s21+$0xFFFFFFA0] =	vst v9;
	v4 =	vmul.f32 v4, v3  }
0x60: {  	v9 =	vld [tilespmem:s23+$0xFFFFFF20];
	p0 =	slt.u32 s22, $0xC;
	[tilespmem:s21+$0xFFFFFFB0] =	vst v10;
	v5 =	vmul.f32 v5, v3  }
0x61: {  	v10 =	vld [tilespmem:s23+$0xFFFFFF30];
	[tilespmem:s21+$0xFFFFFFC0] =	vst v4;
	v4 =	vmul.f32 v6, v3  }
0x62: {  	v6 =	vld [tilespmem:s23+$0xFFFFFF40];
	[tilespmem:s21+$0xFFFFFFD0] =	vst v5;
	v5 =	vmul.f32 v7, v3  }
0x63: {  	v7 =	vld [tilespmem:s23+$0xFFFFFF50];
	v8 =	vmul.f32 v8, v3;
	[tilespmem:s21+$0xFFFFFFE0] =	vst v4  }
0x64: {  	v4 =	vld [tilespmem:s23+$0xFFFFFF60];
	v11 =	vmul.f32 v11, v3;
	[tilespmem:s21+$0xFFFFFFF0] =	vst v5  }
0x65: {  	v5 =	vmul.f32 v9, v3;
	v9 =	vld [tilespmem:s23+$0xFFFFFF70];
	[tilespmem:s21+$0xFFFFFF10] =	vst v8;
	s21 =	smov.u32 s23  }
0x66: {  	v8 =	vmul.f32 v10, v3;
	v10 =	vld [tilespmem:s23+$0xFFFFFF80];
	[tilespmem:s23+$0x0] =	vst v11  }
0x67: {  	[tilespmem:s23+$0xFFFFFF20] =	vst v5;
	v5 =	vmul.f32 v6, v3;
	v6 =	vld [tilespmem:s23+$0xFFFFFF90]  }
0x68: {  	[tilespmem:s23+$0xFFFFFF30] =	vst v8;
	v7 =	vmul.f32 v7, v3;
	v8 =	vld [tilespmem:s23+$0xFFFFFFA0]  }
0x69: {  	[tilespmem:s23+$0xFFFFFF40] =	vst v5;
	v5 =	vmul.f32 v4, v3;
	v11 =	vld [tilespmem:s23+$0xFFFFFFB0]  }
.Ltmp1:
0x6a: {  	[tilespmem:s23+$0xFFFFFF50] =	vst v7;
	v7 =	vmul.f32 v9, v3;
	v4 =	vld [tilespmem:s23+$0xFFFFFFC0];
	(pc) =	sbr.rel @p0 .LBB2_4-.Ltmp1, $4  }
0x6b: {  	[tilespmem:s23+$0xFFFFFF60] =	vst v5;
	v9 =	vmul.f32 v10, v3;
	v5 =	vld [tilespmem:s23+$0xFFFFFFD0]  }
0x6c: {  	[tilespmem:s23+$0xFFFFFF70] =	vst v7;
	v10 =	vmul.f32 v6, v3;
	v6 =	vld [tilespmem:s23+$0xFFFFFFE0]  }
0x6d: {  	[tilespmem:s23+$0xFFFFFF80] =	vst v9;
	v9 =	vmul.f32 v8, v3;
	v7 =	vld [tilespmem:s23+$0xFFFFFFF0]  }
0x6e: {  	s23 =	sadd.s32 $0x100, s23;
	v8 =	vld [tilespmem:s21+$0xFFFFFF10];
	[tilespmem:s21+$0xFFFFFF90] =	vst v10;
	v10 =	vmul.f32 v11, v3  }
0x6f: {  	[tilespmem:s21+$0xFFFFFFA0] =	vst v9;
	v4 =	vmul.f32 v4, v3  }
0x70: {  	[tilespmem:s21+$0xFFFFFFB0] =	vst v10;
	v5 =	vmul.f32 v5, v3  }
0x71: {  	[tilespmem:s21+$0xFFFFFFC0] =	vst v4;
	v4 =	vmul.f32 v6, v3  }
0x72: {  	[tilespmem:s21+$0xFFFFFFD0] =	vst v5;
	v5 =	vmul.f32 v7, v3  }
0x73: {  	v3 =	vmul.f32 v8, v3;
	[tilespmem:s21+$0xFFFFFFE0] =	vst v4  }
0x74: {  	[tilespmem:s21+$0xFFFFFFF0] =	vst v5  }
0x75: {  	[tilespmem:s21+$0xFFFFFF10] =	vst v3  }
0x76: {  	s21 =	simm.s32 $0x730;
	v3 =	vld [tilespmem:$0x17A60]  }
0x77: {  	v4 =	vld [tilespmem:s21+$0x0]  }
0x78: {  	v5 =	vld [tilespmem:s21+$0xFFFFFF20]  }
0x79: {  	v6 =	vld [tilespmem:s21+$0xFFFFFF30]  }
0x7a: {  	v7 =	vld [tilespmem:s21+$0xFFFFFF40]  }
0x7b: {  	v8 =	vld [tilespmem:s21+$0xFFFFFF50]  }
0x7c: {  	v9 =	vld [tilespmem:s21+$0xFFFFFF60];
	v4 =	vmul.f32 v4, v3  }
0x7d: {  	v10 =	vld [tilespmem:s21+$0xFFFFFF70];
	v5 =	vmul.f32 v5, v3  }
0x7e: {  	v11 =	vld [tilespmem:s21+$0xFFFFFF80];
	v6 =	vmul.f32 v6, v3;
	[tilespmem:s21+$0x0] =	vst v4  }
0x7f: {  	[tilespmem:s21+$0xFFFFFF20] =	vst v5;
	v4 =	vmul.f32 v7, v3;
	v7 =	vld [tilespmem:s21+$0xFFFFFF90]  }
0x80: {  	[tilespmem:s21+$0xFFFFFF30] =	vst v6;
	v5 =	vmul.f32 v8, v3;
	v8 =	vld [tilespmem:s21+$0xFFFFFFA0]  }
0x81: {  	v12 =	vld [tilespmem:s21+$0xFFFFFFB0];
	v6 =	vmul.f32 v9, v3;
	[tilespmem:s21+$0xFFFFFF40] =	vst v4  }
0x82: {  	v9 =	vmul.f32 v10, v3;
	[tilespmem:s21+$0xFFFFFF50] =	vst v5;
	v4 =	vld [tilespmem:s21+$0xFFFFFFC0]  }
0x83: {  	v10 =	vmul.f32 v11, v3;
	[tilespmem:s21+$0xFFFFFF60] =	vst v6;
	v5 =	vld [tilespmem:s21+$0xFFFFFFD0]  }
0x84: {  	[tilespmem:s21+$0xFFFFFF70] =	vst v9;
	v6 =	vld [tilespmem:s21+$0xFFFFFFE0];
	v11 =	vmul.f32 v7, v3  }
0x85: {  	[tilespmem:s21+$0xFFFFFF80] =	vst v10;
	v7 =	vld [tilespmem:s21+$0xFFFFFFF0];
	v9 =	vmul.f32 v8, v3  }
0x86: {  	s22 =	simm.s32 $0x0;
	s23 =	simm.s32 $0x830;
	v10 =	vmul.f32 v12, v3;
	v8 =	vld [tilespmem:s21+$0xFFFFFF10];
	[tilespmem:s21+$0xFFFFFF90] =	vst v11  }
.LBB2_6:
0x87: {  	v11 =	vld [tilespmem:s23+$0x0];
	s22 =	sadd.s32 $0x4, s22;
	[tilespmem:s21+$0xFFFFFFA0] =	vst v9;
	v4 =	vmul.f32 v4, v3  }
0x88: {  	v9 =	vld [tilespmem:s23+$0xFFFFFF20];
	p0 =	slt.u32 s22, $0x3C;
	[tilespmem:s21+$0xFFFFFFB0] =	vst v10;
	v5 =	vmul.f32 v5, v3  }
0x89: {  	v10 =	vld [tilespmem:s23+$0xFFFFFF30];
	[tilespmem:s21+$0xFFFFFFC0] =	vst v4;
	v4 =	vmul.f32 v6, v3  }
0x8a: {  	v6 =	vld [tilespmem:s23+$0xFFFFFF40];
	[tilespmem:s21+$0xFFFFFFD0] =	vst v5;
	v5 =	vmul.f32 v7, v3  }
0x8b: {  	v7 =	vld [tilespmem:s23+$0xFFFFFF50];
	v8 =	vmul.f32 v8, v3;
	[tilespmem:s21+$0xFFFFFFE0] =	vst v4  }
0x8c: {  	v4 =	vld [tilespmem:s23+$0xFFFFFF60];
	v11 =	vmul.f32 v11, v3;
	[tilespmem:s21+$0xFFFFFFF0] =	vst v5  }
0x8d: {  	v5 =	vmul.f32 v9, v3;
	v9 =	vld [tilespmem:s23+$0xFFFFFF70];
	[tilespmem:s21+$0xFFFFFF10] =	vst v8;
	s21 =	smov.u32 s23  }
0x8e: {  	v8 =	vmul.f32 v10, v3;
	v10 =	vld [tilespmem:s23+$0xFFFFFF80];
	[tilespmem:s23+$0x0] =	vst v11  }
0x8f: {  	[tilespmem:s23+$0xFFFFFF20] =	vst v5;
	v5 =	vmul.f32 v6, v3;
	v6 =	vld [tilespmem:s23+$0xFFFFFF90]  }
0x90: {  	[tilespmem:s23+$0xFFFFFF30] =	vst v8;
	v7 =	vmul.f32 v7, v3;
	v8 =	vld [tilespmem:s23+$0xFFFFFFA0]  }
0x91: {  	[tilespmem:s23+$0xFFFFFF40] =	vst v5;
	v5 =	vmul.f32 v4, v3;
	v11 =	vld [tilespmem:s23+$0xFFFFFFB0]  }
.Ltmp2:
0x92: {  	[tilespmem:s23+$0xFFFFFF50] =	vst v7;
	v7 =	vmul.f32 v9, v3;
	v4 =	vld [tilespmem:s23+$0xFFFFFFC0];
	(pc) =	sbr.rel @p0 .LBB2_6-.Ltmp2, $4  }
0x93: {  	[tilespmem:s23+$0xFFFFFF60] =	vst v5;
	v9 =	vmul.f32 v10, v3;
	v5 =	vld [tilespmem:s23+$0xFFFFFFD0]  }
0x94: {  	[tilespmem:s23+$0xFFFFFF70] =	vst v7;
	v10 =	vmul.f32 v6, v3;
	v6 =	vld [tilespmem:s23+$0xFFFFFFE0]  }
0x95: {  	[tilespmem:s23+$0xFFFFFF80] =	vst v9;
	v9 =	vmul.f32 v8, v3;
	v7 =	vld [tilespmem:s23+$0xFFFFFFF0]  }
0x96: {  	s23 =	sadd.s32 $0x100, s23;
	v8 =	vld [tilespmem:s21+$0xFFFFFF10];
	[tilespmem:s21+$0xFFFFFF90] =	vst v10;
	v10 =	vmul.f32 v11, v3  }
0x97: {  	[tilespmem:s21+$0xFFFFFFA0] =	vst v9;
	v4 =	vmul.f32 v4, v3  }
0x98: {  	[tilespmem:s21+$0xFFFFFFB0] =	vst v10;
	v5 =	vmul.f32 v5, v3  }
0x99: {  	[tilespmem:s21+$0xFFFFFFC0] =	vst v4;
	v4 =	vmul.f32 v6, v3  }
0x9a: {  	[tilespmem:s21+$0xFFFFFFD0] =	vst v5;
	v5 =	vmul.f32 v7, v3  }
0x9b: {  	v3 =	vmul.f32 v8, v3;
	[tilespmem:s21+$0xFFFFFFE0] =	vst v4  }
0x9c: {  	[tilespmem:s21+$0xFFFFFFF0] =	vst v5  }
0x9d: {  	[tilespmem:s21+$0xFFFFFF10] =	vst v3  }
0x9e: {  	s21 =	simm.s32 $0x1730;
	v3 =	vld [tilespmem:$0x17A70]  }
0x9f: {  	v4 =	vld [tilespmem:s21+$0x0]  }
0xa0: {  	v5 =	vld [tilespmem:s21+$0xFFFFFF20]  }
0xa1: {  	v6 =	vld [tilespmem:s21+$0xFFFFFF30]  }
0xa2: {  	v7 =	vld [tilespmem:s21+$0xFFFFFF40]  }
0xa3: {  	v8 =	vld [tilespmem:s21+$0xFFFFFF50]  }
0xa4: {  	v9 =	vld [tilespmem:s21+$0xFFFFFF60];
	v4 =	vmul.f32 v4, v3  }
0xa5: {  	v10 =	vld [tilespmem:s21+$0xFFFFFF70];
	v5 =	vmul.f32 v5, v3  }
0xa6: {  	v11 =	vld [tilespmem:s21+$0xFFFFFF80];
	v6 =	vmul.f32 v6, v3;
	[tilespmem:s21+$0x0] =	vst v4  }
0xa7: {  	[tilespmem:s21+$0xFFFFFF20] =	vst v5;
	v4 =	vmul.f32 v7, v3;
	v7 =	vld [tilespmem:s21+$0xFFFFFF90]  }
0xa8: {  	[tilespmem:s21+$0xFFFFFF30] =	vst v6;
	v5 =	vmul.f32 v8, v3;
	v8 =	vld [tilespmem:s21+$0xFFFFFFA0]  }
0xa9: {  	v12 =	vld [tilespmem:s21+$0xFFFFFFB0];
	v6 =	vmul.f32 v9, v3;
	[tilespmem:s21+$0xFFFFFF40] =	vst v4  }
0xaa: {  	v9 =	vmul.f32 v10, v3;
	[tilespmem:s21+$0xFFFFFF50] =	vst v5;
	v4 =	vld [tilespmem:s21+$0xFFFFFFC0]  }
0xab: {  	v10 =	vmul.f32 v11, v3;
	[tilespmem:s21+$0xFFFFFF60] =	vst v6;
	v5 =	vld [tilespmem:s21+$0xFFFFFFD0]  }
0xac: {  	[tilespmem:s21+$0xFFFFFF70] =	vst v9;
	v6 =	vld [tilespmem:s21+$0xFFFFFFE0];
	v11 =	vmul.f32 v7, v3  }
0xad: {  	[tilespmem:s21+$0xFFFFFF80] =	vst v10;
	v7 =	vld [tilespmem:s21+$0xFFFFFFF0];
	v9 =	vmul.f32 v8, v3  }
0xae: {  	s22 =	simm.s32 $0x0;
	s23 =	simm.s32 $0x1830;
	v10 =	vmul.f32 v12, v3;
	v8 =	vld [tilespmem:s21+$0xFFFFFF10];
	[tilespmem:s21+$0xFFFFFF90] =	vst v11  }
.LBB2_8:
0xaf: {  	v11 =	vld [tilespmem:s23+$0x0];
	s22 =	sadd.s32 $0x4, s22;
	[tilespmem:s21+$0xFFFFFFA0] =	vst v9;
	v4 =	vmul.f32 v4, v3  }
0xb0: {  	v9 =	vld [tilespmem:s23+$0xFFFFFF20];
	p0 =	slt.u32 s22, $0x3C;
	[tilespmem:s21+$0xFFFFFFB0] =	vst v10;
	v5 =	vmul.f32 v5, v3  }
0xb1: {  	v10 =	vld [tilespmem:s23+$0xFFFFFF30];
	[tilespmem:s21+$0xFFFFFFC0] =	vst v4;
	v4 =	vmul.f32 v6, v3  }
0xb2: {  	v6 =	vld [tilespmem:s23+$0xFFFFFF40];
	[tilespmem:s21+$0xFFFFFFD0] =	vst v5;
	v5 =	vmul.f32 v7, v3  }
0xb3: {  	v7 =	vld [tilespmem:s23+$0xFFFFFF50];
	v8 =	vmul.f32 v8, v3;
	[tilespmem:s21+$0xFFFFFFE0] =	vst v4  }
0xb4: {  	v4 =	vld [tilespmem:s23+$0xFFFFFF60];
	v11 =	vmul.f32 v11, v3;
	[tilespmem:s21+$0xFFFFFFF0] =	vst v5  }
0xb5: {  	v5 =	vmul.f32 v9, v3;
	v9 =	vld [tilespmem:s23+$0xFFFFFF70];
	[tilespmem:s21+$0xFFFFFF10] =	vst v8;
	s21 =	smov.u32 s23  }
0xb6: {  	v8 =	vmul.f32 v10, v3;
	v10 =	vld [tilespmem:s23+$0xFFFFFF80];
	[tilespmem:s23+$0x0] =	vst v11  }
0xb7: {  	[tilespmem:s23+$0xFFFFFF20] =	vst v5;
	v5 =	vmul.f32 v6, v3;
	v6 =	vld [tilespmem:s23+$0xFFFFFF90]  }
0xb8: {  	[tilespmem:s23+$0xFFFFFF30] =	vst v8;
	v7 =	vmul.f32 v7, v3;
	v8 =	vld [tilespmem:s23+$0xFFFFFFA0]  }
0xb9: {  	[tilespmem:s23+$0xFFFFFF40] =	vst v5;
	v5 =	vmul.f32 v4, v3;
	v11 =	vld [tilespmem:s23+$0xFFFFFFB0]  }
.Ltmp3:
0xba: {  	[tilespmem:s23+$0xFFFFFF50] =	vst v7;
	v7 =	vmul.f32 v9, v3;
	v4 =	vld [tilespmem:s23+$0xFFFFFFC0];
	(pc) =	sbr.rel @p0 .LBB2_8-.Ltmp3, $4  }
0xbb: {  	[tilespmem:s23+$0xFFFFFF60] =	vst v5;
	v9 =	vmul.f32 v10, v3;
	v5 =	vld [tilespmem:s23+$0xFFFFFFD0]  }
0xbc: {  	[tilespmem:s23+$0xFFFFFF70] =	vst v7;
	v10 =	vmul.f32 v6, v3;
	v6 =	vld [tilespmem:s23+$0xFFFFFFE0]  }
0xbd: {  	[tilespmem:s23+$0xFFFFFF80] =	vst v9;
	v9 =	vmul.f32 v8, v3;
	v7 =	vld [tilespmem:s23+$0xFFFFFFF0]  }
0xbe: {  	s23 =	sadd.s32 $0x100, s23;
	v8 =	vld [tilespmem:s21+$0xFFFFFF10];
	[tilespmem:s21+$0xFFFFFF90] =	vst v10;
	v10 =	vmul.f32 v11, v3  }
0xbf: {  	[tilespmem:s21+$0xFFFFFFA0] =	vst v9;
	v4 =	vmul.f32 v4, v3  }
0xc0: {  	[tilespmem:s21+$0xFFFFFFB0] =	vst v10;
	v5 =	vmul.f32 v5, v3  }
0xc1: {  	[tilespmem:s21+$0xFFFFFFC0] =	vst v4;
	v4 =	vmul.f32 v6, v3  }
0xc2: {  	[tilespmem:s21+$0xFFFFFFD0] =	vst v5;
	v5 =	vmul.f32 v7, v3  }
0xc3: {  	v3 =	vmul.f32 v8, v3;
	[tilespmem:s21+$0xFFFFFFE0] =	vst v4  }
0xc4: {  	[tilespmem:s21+$0xFFFFFFF0] =	vst v5  }
0xc5: {  	[tilespmem:s21+$0xFFFFFF10] =	vst v3  }
0xc6: {  	s22 =	simm.s32 $0x2730;
	v3 =	vld [tilespmem:$0x17A80]  }
0xc7: {  	v4 =	vld [tilespmem:s22+$0x0]  }
0xc8: {  	v5 =	vld [tilespmem:s22+$0xFFFFFF20]  }
0xc9: {  	v6 =	vld [tilespmem:s22+$0xFFFFFF30]  }
0xca: {  	v7 =	vld [tilespmem:s22+$0xFFFFFF40]  }
0xcb: {  	v8 =	vld [tilespmem:s22+$0xFFFFFF50]  }
0xcc: {  	v9 =	vld [tilespmem:s22+$0xFFFFFF60];
	v4 =	vmul.f32 v4, v3  }
0xcd: {  	v10 =	vld [tilespmem:s22+$0xFFFFFF70];
	v5 =	vmul.f32 v5, v3  }
0xce: {  	v11 =	vld [tilespmem:s22+$0xFFFFFF80];
	v6 =	vmul.f32 v6, v3;
	[tilespmem:s22+$0x0] =	vst v4  }
0xcf: {  	[tilespmem:s22+$0xFFFFFF20] =	vst v5;
	v4 =	vmul.f32 v7, v3;
	v7 =	vld [tilespmem:s22+$0xFFFFFF90]  }
0xd0: {  	[tilespmem:s22+$0xFFFFFF30] =	vst v6;
	v5 =	vmul.f32 v8, v3;
	v8 =	vld [tilespmem:s22+$0xFFFFFFA0]  }
0xd1: {  	v12 =	vld [tilespmem:s22+$0xFFFFFFB0];
	v6 =	vmul.f32 v9, v3;
	[tilespmem:s22+$0xFFFFFF40] =	vst v4  }
0xd2: {  	v9 =	vmul.f32 v10, v3;
	[tilespmem:s22+$0xFFFFFF50] =	vst v5;
	v4 =	vld [tilespmem:s22+$0xFFFFFFC0]  }
0xd3: {  	v10 =	vmul.f32 v11, v3;
	[tilespmem:s22+$0xFFFFFF60] =	vst v6;
	v5 =	vld [tilespmem:s22+$0xFFFFFFD0]  }
0xd4: {  	[tilespmem:s22+$0xFFFFFF70] =	vst v9;
	v6 =	vld [tilespmem:s22+$0xFFFFFFE0];
	v11 =	vmul.f32 v7, v3  }
0xd5: {  	[tilespmem:s22+$0xFFFFFF80] =	vst v10;
	v7 =	vld [tilespmem:s22+$0xFFFFFFF0];
	v9 =	vmul.f32 v8, v3  }
0xd6: {  	s23 =	simm.s32 $0x0;
	s24 =	simm.s32 $0x2830;
	s21 =	simm.s32 $0x6660;
	v10 =	vmul.f32 v12, v3;
	v8 =	vld [tilespmem:s22+$0xFFFFFF10];
	[tilespmem:s22+$0xFFFFFF90] =	vst v11  }
.LBB2_10:
0xd7: {  	v11 =	vld [tilespmem:s24+$0x0];
	s23 =	sadd.s32 $0x4, s23;
	[tilespmem:s22+$0xFFFFFFA0] =	vst v9;
	v4 =	vmul.f32 v4, v3  }
0xd8: {  	v9 =	vld [tilespmem:s24+$0xFFFFFF20];
	p0 =	slt.u32 s23, $0xFC;
	[tilespmem:s22+$0xFFFFFFB0] =	vst v10;
	v5 =	vmul.f32 v5, v3  }
0xd9: {  	v10 =	vld [tilespmem:s24+$0xFFFFFF30];
	[tilespmem:s22+$0xFFFFFFC0] =	vst v4;
	v4 =	vmul.f32 v6, v3  }
0xda: {  	v6 =	vld [tilespmem:s24+$0xFFFFFF40];
	[tilespmem:s22+$0xFFFFFFD0] =	vst v5;
	v5 =	vmul.f32 v7, v3  }
0xdb: {  	v7 =	vld [tilespmem:s24+$0xFFFFFF50];
	v8 =	vmul.f32 v8, v3;
	[tilespmem:s22+$0xFFFFFFE0] =	vst v4  }
0xdc: {  	v4 =	vld [tilespmem:s24+$0xFFFFFF60];
	v11 =	vmul.f32 v11, v3;
	[tilespmem:s22+$0xFFFFFFF0] =	vst v5  }
0xdd: {  	v5 =	vmul.f32 v9, v3;
	v9 =	vld [tilespmem:s24+$0xFFFFFF70];
	[tilespmem:s22+$0xFFFFFF10] =	vst v8;
	s22 =	smov.u32 s24  }
0xde: {  	v8 =	vmul.f32 v10, v3;
	v10 =	vld [tilespmem:s24+$0xFFFFFF80];
	[tilespmem:s24+$0x0] =	vst v11  }
0xdf: {  	[tilespmem:s24+$0xFFFFFF20] =	vst v5;
	v5 =	vmul.f32 v6, v3;
	v6 =	vld [tilespmem:s24+$0xFFFFFF90]  }
0xe0: {  	[tilespmem:s24+$0xFFFFFF30] =	vst v8;
	v7 =	vmul.f32 v7, v3;
	v8 =	vld [tilespmem:s24+$0xFFFFFFA0]  }
0xe1: {  	[tilespmem:s24+$0xFFFFFF40] =	vst v5;
	v5 =	vmul.f32 v4, v3;
	v11 =	vld [tilespmem:s24+$0xFFFFFFB0]  }
.Ltmp4:
0xe2: {  	[tilespmem:s24+$0xFFFFFF50] =	vst v7;
	v7 =	vmul.f32 v9, v3;
	v4 =	vld [tilespmem:s24+$0xFFFFFFC0];
	(pc) =	sbr.rel @p0 .LBB2_10-.Ltmp4, $4  }
0xe3: {  	[tilespmem:s24+$0xFFFFFF60] =	vst v5;
	v9 =	vmul.f32 v10, v3;
	v5 =	vld [tilespmem:s24+$0xFFFFFFD0]  }
0xe4: {  	[tilespmem:s24+$0xFFFFFF70] =	vst v7;
	v10 =	vmul.f32 v6, v3;
	v6 =	vld [tilespmem:s24+$0xFFFFFFE0]  }
0xe5: {  	[tilespmem:s24+$0xFFFFFF80] =	vst v9;
	v9 =	vmul.f32 v8, v3;
	v7 =	vld [tilespmem:s24+$0xFFFFFFF0]  }
0xe6: {  	s24 =	sadd.s32 $0x100, s24;
	v8 =	vld [tilespmem:s22+$0xFFFFFF10];
	[tilespmem:s22+$0xFFFFFF90] =	vst v10;
	v10 =	vmul.f32 v11, v3  }
0xe7: {  	[tilespmem:s22+$0xFFFFFFA0] =	vst v9;
	v4 =	vmul.f32 v4, v3  }
0xe8: {  	[tilespmem:s22+$0xFFFFFFB0] =	vst v10;
	v5 =	vmul.f32 v5, v3  }
0xe9: {  	[tilespmem:s22+$0xFFFFFFC0] =	vst v4;
	v4 =	vmul.f32 v6, v3  }
0xea: {  	[tilespmem:s22+$0xFFFFFFD0] =	vst v5;
	v5 =	vmul.f32 v7, v3  }
0xeb: {  	v3 =	vmul.f32 v8, v3;
	[tilespmem:s22+$0xFFFFFFE0] =	vst v4  }
0xec: {  	[tilespmem:s22+$0xFFFFFFF0] =	vst v5  }
0xed: {  	[tilespmem:s22+$0xFFFFFF10] =	vst v3  }
0xee: {  	v4 =	vld [tilespmem:s21+$0xFFFFFFF0]  }
0xef: {  	v3 =	vld [tilespmem:s21+$0x10]  }
0xf0: {  	v6 =	vld [tilespmem:s21+$0xFFFFFFE0]  }
0xf1: {  	v8 =	vld [tilespmem:s21+$0x0];
	_ =	sdelay $0x1  }
0xf2: {  	s23 =	simm.s32 $0x66A0  }
0xf3: {  	v5 =	vld [tilespmem:s23+$0xFFFFFFF0];
	vm0 =	vgt.s32 v3, $0x0  }
0xf4: {  	vm1 =	vgt.s32 v4, $0x0;
	vm2 =	vgt.s32 v6, $0x0;
	v3 =	vnsel vm0, $0x0, v3  }
0xf5: {  	v6 =	vnsel vm2, $0x0, v6;
	vm0 =	vgt.s32 v8, $0x0;
	v7 =	vmin.u32 v3, $0x8;
	v3 =	vld [tilespmem:s23+$0x10]  }
0xf6: {  	v4 =	vnsel vm1, $0x0, v4;
	v9 =	vmin.u32 v6, $0x8;
	v8 =	vnsel vm0, $0x0, v8;
	v6 =	vld [tilespmem:s23+$0xFFFFFFE0]  }
0xf7: {  	v10 =	vmin.u32 v4, $0x8;
	v4 =	vld [tilespmem:s23+$0x0];
	v9 =	vshll.u32 v9, $0x6;
	v8 =	vmin.u32 v8, $0x8  }
0xf8: {  	s24 =	simm.s32 $0x4;
	s25 =	simm.s32 $0x66E0;
	vm0 =	vgt.s32 v5, $0x0;
	[tilespmem:s21+$0xFFFFFFE0] =	vst v9;
	v9 =	vshll.u32 v10, $0x6;
	v8 =	vshll.u32 v8, $0x6  }
.LBB2_12:
0xf9: {  	s24 =	sadd.s32 $0x4, s24  }
0xfa: {  	v10 =	vld [tilespmem:s25+$0xFFFFFFF0];
	vm1 =	vgt.s32 v3, $0x0;
	[tilespmem:s21+$0xFFFFFFF0] =	vst v9;
	v7 =	vshll.u32 v7, $0x6;
	s22 =	simm.s32 $0x6A70;
	p0 =	slt.u32 s24, $0x3C  }
.Ltmp5:
0xfb: {  	vm2 =	vgt.s32 v6, $0x0;
	v9 =	vnsel vm1, $0x0, v3;
	v3 =	vld [tilespmem:s25+$0x10];
	[tilespmem:s21+$0x10] =	vst v7;
	(pc) =	sbr.rel @p0 .LBB2_12-.Ltmp5, $4  }
0xfc: {  	v11 =	vnsel vm2, $0x0, v6;
	v6 =	vld [tilespmem:s25+$0xFFFFFFE0];
	vm1 =	vgt.s32 v4, $0x0;
	v7 =	vmin.u32 v9, $0x8;
	[tilespmem:s21+$0x0] =	vst v8;
	s21 =	smov.u32 s23;
	s23 =	smov.u32 s25  }
0xfd: {  	v13 =	vnsel vm0, $0x0, v5;
	v8 =	vmin.u32 v11, $0x8;
	v9 =	vnsel vm1, $0x0, v4;
	v4 =	vld [tilespmem:s25+$0x0]  }
0xfe: {  	v12 =	vmin.u32 v13, $0x8;
	v8 =	vshll.u32 v8, $0x6;
	v11 =	vmin.u32 v9, $0x8  }
0xff: {  	s25 =	sadd.s32 $0x40, s25;
	v9 =	vshll.u32 v12, $0x6;
	vm0 =	vgt.s32 v10, $0x0;
	[tilespmem:s21+$0xFFFFFFE0] =	vst v8;
	v8 =	vshll.u32 v11, $0x6;
	v5 =	vmovc v10  }
0x100: {  	vm2 =	vgt.s32 v3, $0x0  }
0x101: {  	[tilespmem:s21+$0xFFFFFFF0] =	vst v9;
	v7 =	vshll.u32 v7, $0x6;
	v5 =	vnsel vm0, $0x0, v5;
	vm1 =	vgt.s32 v6, $0x0  }
0x102: {  	[tilespmem:s21+$0x0] =	vst v8;
	v3 =	vnsel vm2, $0x0, v3;
	v5 =	vmin.u32 v5, $0x8;
	v6 =	vnsel vm1, $0x0, v6  }
0x103: {  	[tilespmem:s21+$0x10] =	vst v7;
	vm0 =	vgt.s32 v4, $0x0;
	v3 =	vmin.u32 v3, $0x8;
	v5 =	vshll.u32 v5, $0x6  }
0x104: {  	v6 =	vmin.u32 v6, $0x8;
	v4 =	vnsel vm0, $0x0, v4;
	[tilespmem:s23+$0xFFFFFFF0] =	vst v5;
	v3 =	vshll.u32 v3, $0x6  }
0x105: {  	v6 =	vshll.u32 v6, $0x6;
	v4 =	vmin.u32 v4, $0x8;
	[tilespmem:s23+$0x10] =	vst v3  }
0x106: {  	[tilespmem:s23+$0xFFFFFFE0] =	vst v6;
	v4 =	vshll.u32 v4, $0x6  }
0x107: {  	[tilespmem:s23+$0x0] =	vst v4  }
0x108: {  	v3 =	vld [tilespmem:s22+$0x0]  }
0x109: {  	v4 =	vld [tilespmem:s22+$0xFFFFFFE0]  }
0x10a: {  	v5 =	vld [tilespmem:s22+$0xFFFFFFF0]  }
0x10b: {  	v6 =	vld [tilespmem:s22+$0xFFFFFFD0];
	_ =	sdelay $0x1  }
0x10c: {  	vm0 =	vgt.s32 v3, $0x0  }
0x10d: {  	vm1 =	vgt.s32 v4, $0x0;
	v3 =	vnsel vm0, $0x0, v3  }
0x10e: {  	s21 =	simm.s32 $0x6AB0;
	v4 =	vnsel vm1, $0x0, v4;
	vm0 =	vgt.s32 v5, $0x0;
	v8 =	vmin.u32 v3, $0xF  }
0x10f: {  	v7 =	vld [tilespmem:s21+$0x0];
	vm1 =	vgt.s32 v6, $0x0;
	v4 =	vmin.u32 v4, $0xF;
	v8 =	vshll.u32 v8, $0x6  }
0x110: {  	v3 =	vld [tilespmem:s21+$0xFFFFFFE0];
	v5 =	vnsel vm0, $0x0, v5;
	v4 =	vshll.u32 v4, $0x6;
	v8 =	vadd.s32 $0x240, v8  }
0x111: {  	v6 =	vnsel vm1, $0x0, v6;
	v5 =	vmin.u32 v5, $0xF;
	[tilespmem:s22+$0x0] =	vst v8;
	v8 =	vadd.s32 $0x240, v4;
	v4 =	vld [tilespmem:s21+$0xFFFFFFF0]  }
0x112: {  	v6 =	vmin.u32 v6, $0xF;
	v63 =	vshll.u32 v5, $0x6;
	v5 =	vld [tilespmem:s21+$0xFFFFFFD0]  }
0x113: {  	v6 =	vshll.u32 v6, $0x6  }
0x114: {  	vm1 =	vgt.s32 v7, $0x0;
	v10 =	vadd.s32 $0x240, v6;
	[tilespmem:s22+$0xFFFFFFE0] =	vst v8  }
0x115: {  	s24 =	simm.s32 $0x6AF0;
	s23 =	simm.s32 $0x4;
	v7 =	vnsel vm1, $0x0, v7;
	v6 =	vadd.s32 $0x240, v63;
	[tilespmem:s22+$0xFFFFFFD0] =	vst v10;
	vm0 =	vgt.s32 v3, $0x0  }
.LBB2_14:
0x116: {  	v8 =	vld [tilespmem:s24+$0x0];
	s23 =	sadd.s32 $0x4, s23;
	v9 =	vnsel vm0, $0x0, v3;
	vm0 =	vgt.s32 v4, $0x0;
	v7 =	vmin.u32 v7, $0xF;
	[tilespmem:s22+$0xFFFFFFF0] =	vst v6;
	s22 =	smov.u32 s21;
	s21 =	smov.u32 s24  }
0x117: {  	v3 =	vld [tilespmem:s24+$0xFFFFFFE0];
	p0 =	slt.u32 s23, $0x3C;
	vm1 =	vgt.s32 v5, $0x0;
	v6 =	vnsel vm0, $0x0, v4;
	v7 =	vshll.u32 v7, $0x6  }
.Ltmp6:
0x118: {  	v9 =	vmin.u32 v9, $0xF;
	v4 =	vld [tilespmem:s24+$0xFFFFFFF0];
	v10 =	vnsel vm1, $0x0, v5;
	v7 =	vadd.s32 $0x240, v7;
	(pc) =	sbr.rel @p0 .LBB2_14-.Ltmp6, $4  }
0x119: {  	v9 =	vshll.u32 v9, $0x6;
	v6 =	vmin.u32 v6, $0xF;
	v5 =	vld [tilespmem:s24+$0xFFFFFFD0];
	v10 =	vmin.u32 v10, $0xF;
	[tilespmem:s22+$0x0] =	vst v7  }
0x11a: {  	v9 =	vadd.s32 $0x240, v9;
	v6 =	vshll.u32 v6, $0x6;
	v7 =	vshll.u32 v10, $0x6  }
0x11b: {  	v6 =	vadd.s32 $0x240, v6;
	vm1 =	vgt.s32 v8, $0x0;
	v10 =	vadd.s32 $0x240, v7;
	[tilespmem:s22+$0xFFFFFFE0] =	vst v9  }
0x11c: {  	s24 =	sadd.s32 $0x40, s24;
	vm0 =	vgt.s32 v3, $0x0;
	v7 =	vnsel vm1, $0x0, v8;
	[tilespmem:s22+$0xFFFFFFD0] =	vst v10  }
0x11d: {  	v3 =	vnsel vm0, $0x0, v3;
	vm0 =	vgt.s32 v4, $0x0  }
0x11e: {  	v7 =	vmin.u32 v7, $0xF;
	vm1 =	vgt.s32 v5, $0x0;
	v4 =	vnsel vm0, $0x0, v4  }
0x11f: {  	v7 =	vshll.u32 v7, $0x6;
	v3 =	vmin.u32 v3, $0xF;
	v5 =	vnsel vm1, $0x0, v5  }
0x120: {  	[tilespmem:s22+$0xFFFFFFF0] =	vst v6;
	v6 =	vadd.s32 $0x240, v7;
	v3 =	vshll.u32 v3, $0x6;
	v4 =	vmin.u32 v4, $0xF  }
0x121: {  	v5 =	vmin.u32 v5, $0xF;
	[tilespmem:s21+$0x0] =	vst v6;
	v3 =	vadd.s32 $0x240, v3;
	v4 =	vshll.u32 v4, $0x6  }
0x122: {  	v5 =	vshll.u32 v5, $0x6;
	[tilespmem:s21+$0xFFFFFFE0] =	vst v3;
	v3 =	vadd.s32 $0x240, v4  }
0x123: {  	v5 =	vadd.s32 $0x240, v5;
	[tilespmem:s21+$0xFFFFFFF0] =	vst v3  }
0x124: {  	s23 =	simm.s32 $0x6E70;
	[tilespmem:s21+$0xFFFFFFD0] =	vst v5  }
0x125: {  	v3 =	vld [tilespmem:s23+$0x0]  }
0x126: {  	v4 =	vld [tilespmem:s23+$0xFFFFFFE0]  }
0x127: {  	v5 =	vld [tilespmem:s23+$0xFFFFFFF0]  }
0x128: {  	v6 =	vld [tilespmem:s23+$0xFFFFFFD0];
	_ =	sdelay $0x1  }
0x129: {  	vm0 =	vgt.s32 v3, $0x0  }
0x12a: {  	vm1 =	vgt.s32 v4, $0x0;
	v3 =	vnsel vm0, $0x0, v3  }
0x12b: {  	s22 =	simm.s32 $0x6EB0;
	v4 =	vnsel vm1, $0x0, v4;
	vm0 =	vgt.s32 v5, $0x0;
	v8 =	vmin.u32 v3, $0x3F  }
0x12c: {  	v7 =	vld [tilespmem:s22+$0x0];
	vm1 =	vgt.s32 v6, $0x0;
	v4 =	vmin.u32 v4, $0x3F;
	v8 =	vshll.u32 v8, $0x6  }
0x12d: {  	v3 =	vld [tilespmem:s22+$0xFFFFFFE0];
	v5 =	vnsel vm0, $0x0, v5;
	v4 =	vshll.u32 v4, $0x6;
	v8 =	vadd.s32 $0x640, v8  }
0x12e: {  	v6 =	vnsel vm1, $0x0, v6;
	v5 =	vmin.u32 v5, $0x3F;
	[tilespmem:s23+$0x0] =	vst v8;
	v8 =	vadd.s32 $0x640, v4;
	v4 =	vld [tilespmem:s22+$0xFFFFFFF0]  }
0x12f: {  	v6 =	vmin.u32 v6, $0x3F;
	v9 =	vshll.u32 v5, $0x6;
	v5 =	vld [tilespmem:s22+$0xFFFFFFD0]  }
0x130: {  	v6 =	vshll.u32 v6, $0x6  }
0x131: {  	vm1 =	vgt.s32 v7, $0x0;
	v10 =	vadd.s32 $0x640, v6;
	[tilespmem:s23+$0xFFFFFFE0] =	vst v8  }
0x132: {  	s24 =	simm.s32 $0x6EF0;
	s21 =	simm.s32 $0x4;
	v7 =	vnsel vm1, $0x0, v7;
	v6 =	vadd.s32 $0x640, v9;
	[tilespmem:s23+$0xFFFFFFD0] =	vst v10;
	vm0 =	vgt.s32 v3, $0x0  }
.LBB2_16:
0x133: {  	v8 =	vld [tilespmem:s24+$0x0];
	s21 =	sadd.s32 $0x4, s21;
	v9 =	vnsel vm0, $0x0, v3;
	vm0 =	vgt.s32 v4, $0x0;
	v7 =	vmin.u32 v7, $0x3F;
	[tilespmem:s23+$0xFFFFFFF0] =	vst v6;
	s23 =	smov.u32 s22;
	s22 =	smov.u32 s24  }
0x134: {  	v3 =	vld [tilespmem:s24+$0xFFFFFFE0];
	p0 =	slt.u32 s21, $0x3C;
	vm1 =	vgt.s32 v5, $0x0;
	v6 =	vnsel vm0, $0x0, v4;
	v7 =	vshll.u32 v7, $0x6  }
.Ltmp7:
0x135: {  	v9 =	vmin.u32 v9, $0x3F;
	v4 =	vld [tilespmem:s24+$0xFFFFFFF0];
	v10 =	vnsel vm1, $0x0, v5;
	v7 =	vadd.s32 $0x640, v7;
	(pc) =	sbr.rel @p0 .LBB2_16-.Ltmp7, $4  }
0x136: {  	v9 =	vshll.u32 v9, $0x6;
	v6 =	vmin.u32 v6, $0x3F;
	v5 =	vld [tilespmem:s24+$0xFFFFFFD0];
	v10 =	vmin.u32 v10, $0x3F;
	[tilespmem:s23+$0x0] =	vst v7  }
0x137: {  	v9 =	vadd.s32 $0x640, v9;
	v6 =	vshll.u32 v6, $0x6;
	v7 =	vshll.u32 v10, $0x6  }
0x138: {  	v6 =	vadd.s32 $0x640, v6;
	vm1 =	vgt.s32 v8, $0x0;
	v10 =	vadd.s32 $0x640, v7;
	[tilespmem:s23+$0xFFFFFFE0] =	vst v9  }
0x139: {  	s24 =	sadd.s32 $0x40, s24;
	vm0 =	vgt.s32 v3, $0x0;
	v7 =	vnsel vm1, $0x0, v8;
	[tilespmem:s23+$0xFFFFFFD0] =	vst v10  }
0x13a: {  	v3 =	vnsel vm0, $0x0, v3;
	vm0 =	vgt.s32 v4, $0x0  }
0x13b: {  	v7 =	vmin.u32 v7, $0x3F;
	v4 =	vnsel vm0, $0x0, v4;
	vm0 =	vgt.s32 v5, $0x0  }
0x13c: {  	v7 =	vshll.u32 v7, $0x6;
	v3 =	vmin.u32 v3, $0x3F;
	v5 =	vnsel vm0, $0x0, v5  }
0x13d: {  	[tilespmem:s23+$0xFFFFFFF0] =	vst v6;
	v6 =	vadd.s32 $0x640, v7;
	v3 =	vshll.u32 v3, $0x6;
	v4 =	vmin.u32 v4, $0x3F  }
0x13e: {  	v5 =	vmin.u32 v5, $0x3F;
	[tilespmem:s22+$0x0] =	vst v6;
	v3 =	vadd.s32 $0x640, v3;
	v4 =	vshll.u32 v4, $0x6  }
0x13f: {  	v5 =	vshll.u32 v5, $0x6;
	[tilespmem:s22+$0xFFFFFFE0] =	vst v3;
	v3 =	vadd.s32 $0x640, v4  }
0x140: {  	v5 =	vadd.s32 $0x640, v5;
	[tilespmem:s22+$0xFFFFFFF0] =	vst v3  }
0x141: {  	s21 =	simm.s32 $0x7270;
	[tilespmem:s22+$0xFFFFFFD0] =	vst v5  }
0x142: {  	v6 =	vld [tilespmem:s21+$0x0]  }
0x143: {  	p1 =	por $0x1, $0x1;
	v3 =	vld [tilespmem:s21+$0xFFFFFFE0]  }
.Ltmp8:
0x144: {  	_ = 	snop;
	(pc) =	sbr.rel @!p1 .LBB2_18-.Ltmp8, $3  }
0x145: {  	_ =	sdelay $0x1  }
0x146: {  	v4 =	vld [tilespmem:s21+$0xFFFFFFF0];
	vm1 =	vgt.s32 v6, $0x0  }
0x147: {  	p0 =	por $0x0, $0x0;
	s22 =	simm.s32 $0x72B0;
	v5 =	vld [tilespmem:s21+$0xFFFFFFD0];
	vm0 =	vgt.s32 v3, $0x0;
	v7 =	vnsel vm1, $0x0, v6  }
0x148: {  	_ =	sdelay $0x3  }
0x149: {  	v6 =	vnsel vm0, $0x0, v3;
	vm1 =	vgt.s32 v5, $0x0  }
0x14a: {  	v8 =	vld [tilespmem:s22+$0x0];
	v7 =	vmin.u32 v7, $0x3F;
	vm0 =	vgt.s32 v4, $0x0;
	v5 =	vnsel vm1, $0x0, v5  }
0x14b: {  	v3 =	vld [tilespmem:s22+$0xFFFFFFE0];
	p3 =	por $0x1, $0x1;
	v7 =	vshll.u32 v7, $0x6;
	v4 =	vnsel vm0, $0x0, v4;
	v5 =	vmin.u32 v5, $0x3F  }
.Ltmp9:
0x14c: {  	v6 =	vmin.u32 v6, $0x3F;
	v9 =	vmin.u32 v4, $0x3F;
	v4 =	vld [tilespmem:s22+$0xFFFFFFF0];
	v5 =	vshll.u32 v5, $0x6;
	(pc) =	sbr.rel @!p3 .LBB2_20-.Ltmp9, $4  }
0x14d: {  	v7 =	vadd.s32 $0x1640, v7;
	v6 =	vshll.u32 v6, $0x6;
	v63 =	vadd.s32 $0x1640, v5;
	v5 =	vld [tilespmem:s22+$0xFFFFFFD0]  }
0x14e: {  	[tilespmem:s21+$0x0] =	vst v7;
	v6 =	vadd.s32 $0x1640, v6  }
0x14f: {  	[tilespmem:s21+$0xFFFFFFE0] =	vst v6;
	vm1 =	vgt.s32 v8, $0x0;
	v7 =	vshll.u32 v9, $0x6  }
0x150: {  	s23 =	simm.s32 $0x4;
	s24 =	simm.s32 $0x72F0;
	p2 =	por $0x1, $0x1;
	vm0 =	vgt.s32 v3, $0x0;
	v6 =	vadd.s32 $0x1640, v7;
	v7 =	vnsel vm1, $0x0, v8;
	[tilespmem:s21+$0xFFFFFFD0] =	vst v63  }
.LBB2_21:
0x151: {  	v8 =	vld [tilespmem:s24+$0x0];
	s23 =	sadd.s32 $0x4, s23;
	v9 =	vnsel vm0, $0x0, v3;
	vm0 =	vgt.s32 v4, $0x0;
	v7 =	vmin.u32 v7, $0x3F;
	[tilespmem:s21+$0xFFFFFFF0] =	vst v6;
	s21 =	smov.u32 s22;
	s22 =	smov.u32 s24  }
0x152: {  	v3 =	vld [tilespmem:s24+$0xFFFFFFE0];
	p3 =	slt.u32 s23, $0x3C;
	vm1 =	vgt.s32 v5, $0x0;
	v6 =	vnsel vm0, $0x0, v4;
	v7 =	vshll.u32 v7, $0x6  }
.Ltmp10:
0x153: {  	v9 =	vmin.u32 v9, $0x3F;
	v4 =	vld [tilespmem:s24+$0xFFFFFFF0];
	v10 =	vnsel vm1, $0x0, v5;
	v7 =	vadd.s32 $0x1640, v7;
	(pc) =	sbr.rel @p3 .LBB2_21-.Ltmp10, $4  }
0x154: {  	v9 =	vshll.u32 v9, $0x6;
	v6 =	vmin.u32 v6, $0x3F;
	v5 =	vld [tilespmem:s24+$0xFFFFFFD0];
	v10 =	vmin.u32 v10, $0x3F;
	[tilespmem:s21+$0x0] =	vst v7  }
0x155: {  	v9 =	vadd.s32 $0x1640, v9;
	v6 =	vshll.u32 v6, $0x6;
	v7 =	vshll.u32 v10, $0x6  }
0x156: {  	v6 =	vadd.s32 $0x1640, v6;
	vm1 =	vgt.s32 v8, $0x0;
	v10 =	vadd.s32 $0x1640, v7;
	[tilespmem:s21+$0xFFFFFFE0] =	vst v9  }
0x157: {  	s24 =	sadd.s32 $0x40, s24;
	vm0 =	vgt.s32 v3, $0x0;
	v7 =	vnsel vm1, $0x0, v8;
	[tilespmem:s21+$0xFFFFFFD0] =	vst v10  }
0x158: {  	s23 =	smov.u32 s21;
	s21 =	smov.u32 s22  }
.LBB2_23:
0x159: {  	v3 =	vnsel vm0, $0x0, v3;
	vm0 =	vgt.s32 v4, $0x0  }
0x15a: {  	v7 =	vmin.u32 v7, $0x3F;
	v4 =	vnsel vm0, $0x0, v4;
	vm0 =	vgt.s32 v5, $0x0  }
0x15b: {  	v7 =	vshll.u32 v7, $0x6;
	v3 =	vmin.u32 v3, $0x3F;
	v5 =	vnsel vm0, $0x0, v5  }
0x15c: {  	[tilespmem:s23+$0xFFFFFFF0] =	vst @p2 v6;
	v6 =	vadd.s32 $0x1640, v7;
	v3 =	vshll.u32 v3, $0x6;
	v4 =	vmin.u32 v4, $0x3F  }
0x15d: {  	v5 =	vmin.u32 v5, $0x3F;
	[tilespmem:s21+$0x0] =	vst v6;
	v3 =	vadd.s32 $0x1640, v3;
	v4 =	vshll.u32 v4, $0x6  }
0x15e: {  	v5 =	vshll.u32 v5, $0x6;
	[tilespmem:s21+$0xFFFFFFE0] =	vst v3;
	v3 =	vadd.s32 $0x1640, v4  }
0x15f: {  	v5 =	vadd.s32 $0x1640, v5;
	[tilespmem:s21+$0xFFFFFFF0] =	vst v3  }
0x160: {  	s22 =	simm.s32 $0x7670;
	[tilespmem:s21+$0xFFFFFFD0] =	vst v5  }
0x161: {  	v6 =	vld [tilespmem:s22+$0x0]  }
0x162: {  	v3 =	vld [tilespmem:s22+$0xFFFFFFE0]  }
.Ltmp11:
0x163: {  	_ = 	snop;
	(pc) =	sbr.rel @!p1 .LBB2_24-.Ltmp11, $3  }
0x164: {  	_ =	sdelay $0x1  }
0x165: {  	v4 =	vld [tilespmem:s22+$0xFFFFFFF0];
	vm1 =	vgt.s32 v6, $0x0  }
0x166: {  	s21 =	simm.s32 $0x76B0;
	v5 =	vld [tilespmem:s22+$0xFFFFFFD0];
	vm0 =	vgt.s32 v3, $0x0;
	v7 =	vnsel vm1, $0x0, v6  }
0x167: {  	_ =	sdelay $0x3  }
0x168: {  	v6 =	vnsel vm0, $0x0, v3;
	vm1 =	vgt.s32 v5, $0x0  }
0x169: {  	v8 =	vld [tilespmem:s21+$0x0];
	v7 =	vmin.u32 v7, $0xFF;
	vm0 =	vgt.s32 v4, $0x0;
	v5 =	vnsel vm1, $0x0, v5  }
0x16a: {  	v3 =	vld [tilespmem:s21+$0xFFFFFFE0];
	p1 =	por $0x1, $0x1;
	v7 =	vshll.u32 v7, $0x6;
	v4 =	vnsel vm0, $0x0, v4;
	v5 =	vmin.u32 v5, $0xFF  }
.Ltmp12:
0x16b: {  	v6 =	vmin.u32 v6, $0xFF;
	v9 =	vmin.u32 v4, $0xFF;
	v4 =	vld [tilespmem:s21+$0xFFFFFFF0];
	v5 =	vshll.u32 v5, $0x6;
	(pc) =	sbr.rel @!p1 .LBB2_26-.Ltmp12, $4  }
0x16c: {  	v7 =	vadd.s32 $0x2640, v7;
	v6 =	vshll.u32 v6, $0x6;
	v63 =	vadd.s32 $0x2640, v5;
	v5 =	vld [tilespmem:s21+$0xFFFFFFD0]  }
0x16d: {  	[tilespmem:s22+$0x0] =	vst v7;
	v6 =	vadd.s32 $0x2640, v6  }
0x16e: {  	[tilespmem:s22+$0xFFFFFFE0] =	vst v6;
	vm1 =	vgt.s32 v8, $0x0;
	v7 =	vshll.u32 v9, $0x6  }
0x16f: {  	s23 =	simm.s32 $0x4;
	s24 =	simm.s32 $0x76F0;
	p0 =	por $0x1, $0x1;
	vm0 =	vgt.s32 v3, $0x0;
	v6 =	vadd.s32 $0x2640, v7;
	v7 =	vnsel vm1, $0x0, v8;
	[tilespmem:s22+$0xFFFFFFD0] =	vst v63  }
.LBB2_27:
0x170: {  	v8 =	vld [tilespmem:s24+$0x0];
	s23 =	sadd.s32 $0x4, s23;
	v9 =	vnsel vm0, $0x0, v3;
	vm0 =	vgt.s32 v4, $0x0;
	v7 =	vmin.u32 v7, $0xFF;
	[tilespmem:s22+$0xFFFFFFF0] =	vst v6;
	s22 =	smov.u32 s21;
	s21 =	smov.u32 s24  }
0x171: {  	v3 =	vld [tilespmem:s24+$0xFFFFFFE0];
	p1 =	slt.u32 s23, $0x3C;
	vm1 =	vgt.s32 v5, $0x0;
	v6 =	vnsel vm0, $0x0, v4;
	v7 =	vshll.u32 v7, $0x6  }
.Ltmp13:
0x172: {  	v9 =	vmin.u32 v9, $0xFF;
	v4 =	vld [tilespmem:s24+$0xFFFFFFF0];
	v10 =	vnsel vm1, $0x0, v5;
	v7 =	vadd.s32 $0x2640, v7;
	(pc) =	sbr.rel @p1 .LBB2_27-.Ltmp13, $4  }
0x173: {  	v9 =	vshll.u32 v9, $0x6;
	v6 =	vmin.u32 v6, $0xFF;
	v5 =	vld [tilespmem:s24+$0xFFFFFFD0];
	v10 =	vmin.u32 v10, $0xFF;
	[tilespmem:s22+$0x0] =	vst v7  }
0x174: {  	v9 =	vadd.s32 $0x2640, v9;
	v6 =	vshll.u32 v6, $0x6;
	v7 =	vshll.u32 v10, $0x6  }
0x175: {  	v6 =	vadd.s32 $0x2640, v6;
	vm1 =	vgt.s32 v8, $0x0;
	v10 =	vadd.s32 $0x2640, v7;
	[tilespmem:s22+$0xFFFFFFE0] =	vst v9  }
0x176: {  	s24 =	sadd.s32 $0x40, s24;
	vm0 =	vgt.s32 v3, $0x0;
	v7 =	vnsel vm1, $0x0, v8;
	[tilespmem:s22+$0xFFFFFFD0] =	vst v10  }
0x177: {  	s23 =	smov.u32 s22;
	s22 =	smov.u32 s21  }
.LBB2_29:
0x178: {  	v3 =	vnsel vm0, $0x0, v3;
	vm14 =	vgt.s32 v4, $0x0  }
0x179: {  	v7 =	vmin.u32 v7, $0xFF;
	vm15 =	vgt.s32 v5, $0x0;
	v4 =	vnsel vm14, $0x0, v4  }
0x17a: {  	v7 =	vshll.u32 v7, $0x6;
	v5 =	vnsel vm15, $0x0, v5;
	v3 =	vmin.u32 v3, $0xFF  }
0x17b: {  	[tilespmem:s23+$0xFFFFFFF0] =	vst @p0 v6;
	v63 =	vadd.s32 $0x2640, v7;
	v5 =	vmin.u32 v5, $0xFF;
	v3 =	vshll.u32 v3, $0x6  }
0x17c: {  	v4 =	vmin.u32 v4, $0xFF;
	[tilespmem:s22+$0x0] =	vst v63;
	v5 =	vshll.u32 v5, $0x6;
	v3 =	vadd.s32 $0x2640, v3  }
0x17d: {  	v4 =	vshll.u32 v4, $0x6;
	v5 =	vadd.s32 $0x2640, v5;
	[tilespmem:s22+$0xFFFFFFE0] =	vst v3  }
0x17e: {  	v3 =	vadd.s32 $0x2640, v4;
	[tilespmem:s22+$0xFFFFFFD0] =	vst v5  }
0x17f: {  	s21 =	simm.s32 $0x0;
	[tilespmem:s22+$0xFFFFFFF0] =	vst v3;
	s22 =	simm.s32 $0x0  }
.LBB2_30:
0x180: {  	s23 =	sshll.u32 s22, $0x4  }
0x181: {  	s23 =	sand.u32 $0x3FFFFFF0, s23  }
0x182: {  	v4 =	vld [tilespmem:s23+$0x7640]  }
0x183: {  	v5 =	vld [tilespmem:s23+$0x6640]  }
0x184: {  	v6 =	vld [tilespmem:s23+$0x6A40]  }
0x185: {  	v14 =	vadd.s32 s21, v0  }
0x186: {  	s24 =	simm.s32 $0x1;
	v23 =	vand.u32 $0x3F, v14  }
0x187: {  	v3 =	vadd.s32 s24, v0;
	v9 =	vadd.s32 v4, v23  }
0x188: {  	v16 =	vand.u32 $0x3F, v3;
	v10 =	vadd.s32 v5, v23  }
0x189: {  	s31 =	simm.s32 $0x2;
	v11 =	vadd.s32 v6, v16  }
0x18a: {  	s25 =	simm.s32 $0x4;
	v7 =	vld [tilespmem:s23+$0x6E40];
	v3 =	vadd.s32 s31, v0;
	v12 =	vadd.s32 v5, v16  }
0x18b: {  	s28 =	simm.s32 $0x7;
	v13 =	vadd.s32 s25, v0;
	v8 =	vld [tilespmem:s23+$0x7240];
	v17 =	vand.u32 $0x3F, v3;
	v15 =	vadd.s32 v4, v16  }
0x18c: {  	v21 =	vadd.s32 s28, v0;
	v29 =	vand.u32 $0x3F, v13;
	v19 =	vadd.s32 v5, v17;
	v3 =	vld.idx.msk [tilespmem:v9+s2+$0x0], $0xffff  }
0x18d: {  	v26 =	vand.u32 $0x3F, v21;
	v39 =	vadd.s32 v6, v29;
	v13 =	vld.idx.msk [tilespmem:v10+s2+$0x0], $0xffff  }
0x18e: {  	v24 =	vadd.s32 v5, v26;
	v20 =	vld.idx.msk [tilespmem:v11+s2+$0x0], $0xffff  }
0x18f: {  	v9 =	vadd.s32 v7, v29;
	v25 =	vld.idx.msk [tilespmem:v12+s2+$0x0], $0xffff  }
0x190: {  	v11 =	vadd.s32 v7, v16;
	v27 =	vld.idx.msk [tilespmem:v15+s2+$0x0], $0xffff  }
0x191: {  	s26 =	simm.s32 $0x6;
	s29 =	simm.s32 $0x3;
	v12 =	vadd.s32 v7, v17;
	v21 =	vld.idx.msk [tilespmem:v19+s2+$0x0], $0xffff  }
0x192: {  	v10 =	vadd.s32 s26, v0;
	v15 =	vadd.s32 v8, v26;
	v19 =	vadd.s32 s29, v0;
	v47 =	vld.idx.msk [tilespmem:v39+s2+$0x0], $0xffff  }
0x193: {  	v18 =	vand.u32 $0x3F, v10;
	v30 =	vand.u32 $0x3F, v19;
	v19 =	vld.idx.msk [tilespmem:v24+s2+$0x0], $0xffff;
	v24 =	vadd.s32 v6, v17  }
0x194: {  	v10 =	vadd.s32 v5, v18;
	v33 =	vld.idx.msk [tilespmem:v9+s2+$0x0], $0xffff  }
0x195: {  	s30 =	simm.s32 $0x5;
	v35 =	vadd.s32 v5, v30;
	v31 =	vld.idx.msk [tilespmem:v11+s2+$0x0], $0xffff  }
0x196: {  	v37 =	vadd.s32 v6, v30;
	v9 =	vadd.s32 s30, v0;
	v32 =	vld.idx.msk [tilespmem:v12+s2+$0x0], $0xffff  }
0x197: {  	v43 =	vadd.s32 v8, v30;
	v40 =	vand.u32 $0x3F, v9;
	v9 =	vld.idx.msk [tilespmem:v15+s2+$0x0], $0xffff  }
0x198: {  	v57 =	vadd.s32 v6, v18;
	v42 =	vld.idx.msk [tilespmem:v24+s2+$0x0], $0xffff  }
0x199: {  	v12 =	vadd.s32 v7, v30;
	v22 =	vld.idx.msk [tilespmem:v10+s2+$0x0], $0xffff  }
0x19a: {  	v15 =	vadd.s32 v8, v16;
	v35 =	vld.idx.msk [tilespmem:v35+s2+$0x0], $0xffff  }
0x19b: {  	v38 =	vadd.s32 v5, v29;
	v45 =	vld.idx.msk [tilespmem:v37+s2+$0x0], $0xffff  }
0x19c: {  	v14 =	vand.u32 $0x38, v14;
	v11 =	vadd.s32 v8, v17;
	v43 =	vld.idx.msk [tilespmem:v43+s2+$0x0], $0xffff  }
0x19d: {  	v59 =	vadd.s32 v8, v29;
	v39 =	vadd.s32 v7, v26;
	v10 =	vadd.s32 v4, v17;
	v37 =	vld.idx.msk [tilespmem:v57+s2+$0x0], $0xffff  }
0x19e: {  	v44 =	vadd.s32 v4, v30;
	v49 =	vadd.s32 v7, v18;
	v20 =	vadd.f32 v20, v25;
	v36 =	vld.idx.msk [tilespmem:v12+s2+$0x0], $0xffff  }
0x19f: {  	v25 =	vadd.s32 v4, v29;
	v24 =	vadd.s32 v6, v23;
	v28 =	vadd.s32 v5, v40;
	v41 =	vld.idx.msk [tilespmem:v15+s2+$0x0], $0xffff  }
0x1a0: {  	v58 =	vadd.s32 v6, v40;
	v48 =	vadd.s32 v7, v40;
	v20 =	vadd.f32 v31, v20;
	v31 =	vld.idx.msk [tilespmem:v38+s2+$0x0], $0xffff  }
0x1a1: {  	s31 =	sshll.u32 s22, $0xA;
	v60 =	vadd.s32 v8, v40;
	v34 =	vld.idx.msk [tilespmem:v11+s2+$0x0], $0xffff;
	v12 =	vadd.s32 v7, v23;
	v38 =	vadd.s32 v4, v26  }
0x1a2: {  	v15 =	vor.u32 s31, v2;
	v42 =	vadd.f32 v42, v21;
	v11 =	vld.idx.msk [tilespmem:v10+s2+$0x0], $0xffff;
	v10 =	vor.u32 s31, v1  }
0x1a3: {  	v21 =	vld.idx.msk [tilespmem:v44+s2+$0x0], $0xffff;
	v14 =	vor.u32 v14, v15;
	v62 =	vadd.f32 v45, v35;
	v46 =	vor.u32 v10, v16  }
0x1a4: {  	p0 =	por $0x1, $0x1;
	v28 =	vld.idx.msk [tilespmem:v28+s2+$0x0], $0xffff;
	v16 =	vor.u32 v10, v17;
	v61 =	vadd.f32 v32, v42;
	v41 =	vadd.f32 v41, v20  }
.Ltmp14:
0x1a5: {  	v35 =	vld.idx.msk [tilespmem:v59+s2+$0x0], $0xffff;
	v42 =	vadd.f32 v36, v62;
	v63 =	vadd.f32 v47, v31;
	v20 =	vor.u32 v10, v30;
	(pc) =	sbr.rel @!p0 .LBB2_32-.Ltmp14, $4  }
0x1a6: {  	v32 =	vld.idx.msk [tilespmem:v58+s2+$0x0], $0xffff;
	v30 =	vadd.s32 v8, v23;
	v23 =	vadd.f32 v27, v41;
	v27 =	vadd.s32 v6, v26  }
0x1a7: {  	v17 =	vor.u32 v10, v26;
	v36 =	vld.idx.msk [tilespmem:v48+s2+$0x0], $0xffff;
	v31 =	vor.u32 v10, v29;
	v29 =	vadd.f32 v43, v42  }
0x1a8: {  	v42 =	vadd.f32 v33, v63;
	v33 =	vld.idx.msk [tilespmem:v49+s2+$0x0], $0xffff;
	v26 =	vadd.f32 v34, v61;
	v41 =	vadd.s32 v8, v18  }
0x1a9: {  	s24 =	simm.s32 $0x8;
	v34 =	vld.idx.msk [tilespmem:v60+s2+$0x0], $0xffff;
	[tilespmem:v46+s19+$0x0] =	vst.idx.msk $0xffff, v23;
	v23 =	vor.u32 v10, v40;
	v40 =	vadd.s32 v4, v40  }
.LBB2_31:
0x1aa: {  	s23 =	sadd.s32 $0x2, s24  }
0x1ab: {  	v43 =	vadd.s32 s24, v0;
	s25 =	sadd.s32 $0x6, s24;
	s26 =	sadd.s32 $0x7, s24;
	v44 =	vadd.s32 v4, v18;
	v45 =	vor.u32 v10, v18;
	v18 =	vld.idx.msk [tilespmem:v27+s2+$0x0], $0xffff;
	s28 =	smov.u32 s24  }
0x1ac: {  	v28 =	vadd.f32 v32, v28;
	v27 =	vand.u32 $0x3F, v43;
	s29 =	sadd.s32 $0x1, s28;
	v46 =	vadd.s32 s23, v0;
	s30 =	sadd.s32 $0x5, s28;
	s23 =	sadd.s32 $0x8, s24;
	v39 =	vld.idx.msk [tilespmem:v39+s2+$0x0], $0xffff  }
0x1ad: {  	p0 =	slt.u32 s24, $0x38;
	v42 =	vadd.f32 v35, v42;
	v47 =	vadd.s32 s29, v0;
	v32 =	vand.u32 $0x3F, v46;
	v38 =	vld.idx.msk [tilespmem:v38+s2+$0x0], $0xffff  }
0x1ae: {  	v22 =	vadd.f32 v37, v22;
	v46 =	vadd.s32 s26, v0;
	v35 =	vand.u32 $0x3F, v47;
	v37 =	vld.idx.msk [tilespmem:v41+s2+$0x0], $0xffff  }
0x1af: {  	v41 =	vadd.s32 v4, v27;
	v47 =	vadd.s32 v5, v35;
	v48 =	vadd.s32 v8, v35;
	v40 =	vld.idx.msk [tilespmem:v40+s2+$0x0], $0xffff  }
0x1b0: {  	s24 =	sadd.s32 $0x3, s28;
	v49 =	vadd.s32 v5, v27;
	v50 =	vadd.s32 v7, v27;
	v51 =	vadd.s32 v6, v35;
	v24 =	vld.idx.msk [tilespmem:v24+s2+$0x0], $0xffff  }
0x1b1: {  	v54 =	vadd.s32 s24, v0;
	v53 =	vadd.s32 v5, v32;
	v52 =	vadd.s32 v4, v35;
	v44 =	vld.idx.msk [tilespmem:v44+s2+$0x0], $0xffff  }
0x1b2: {  	s24 =	sadd.s32 $0x4, s28;
	v28 =	vadd.f32 v36, v28;
	v55 =	vadd.s32 v6, v32;
	v54 =	vand.u32 $0x3F, v54;
	v56 =	vld.idx.msk [tilespmem:v12+s2+$0x0], $0xffff;
	v12 =	vmovc v50  }
0x1b3: {  	v36 =	vadd.s32 v5, v54;
	v22 =	vadd.f32 v33, v22;
	v50 =	vadd.s32 s24, v0;
	v25 =	vld.idx.msk [tilespmem:v25+s2+$0x0], $0xffff  }
0x1b4: {  	v57 =	vadd.s32 v6, v54;
	v33 =	vand.u32 $0x3F, v50;
	v50 =	vadd.s32 s25, v0;
	v41 =	vld.idx.msk [tilespmem:v41+s2+$0x0], $0xffff  }
0x1b5: {  	v59 =	vadd.s32 s30, v0;
	v19 =	vadd.f32 v18, v19;
	v58 =	vadd.s32 v5, v33;
	v49 =	vld.idx.msk [tilespmem:v49+s2+$0x0], $0xffff  }
0x1b6: {  	v60 =	vadd.s32 v6, v33;
	v61 =	vadd.s32 v7, v33;
	v13 =	vadd.f32 v24, v13;
	v24 =	vld.idx.msk [tilespmem:v30+s2+$0x0], $0xffff  }
0x1b7: {  	v59 =	vand.u32 $0x3F, v59;
	v46 =	vand.u32 $0x3F, v46;
	v30 =	vld.idx.msk [tilespmem:v51+s2+$0x0], $0xffff;
	v51 =	vadd.s32 v7, v35  }
0x1b8: {  	v62 =	vadd.s32 v7, v32;
	v18 =	vand.u32 $0x3F, v50;
	v50 =	vadd.s32 v8, v46;
	v47 =	vld.idx.msk [tilespmem:v47+s2+$0x0], $0xffff  }
0x1b9: {  	v19 =	vadd.f32 v39, v19;
	v22 =	vadd.f32 v37, v22;
	v63 =	vadd.s32 v5, v18;
	v52 =	vld.idx.msk [tilespmem:v52+s2+$0x0], $0xffff  }
0x1ba: {  	v28 =	vadd.f32 v34, v28;
	v39 =	vadd.s32 v5, v59;
	v25 =	vadd.f32 v25, v42;
	v37 =	vld.idx.msk [tilespmem:v53+s2+$0x0], $0xffff  }
0x1bb: {  	v34 =	vadd.s32 v5, v46;
	v9 =	vadd.f32 v9, v19;
	v44 =	vadd.f32 v44, v22;
	v42 =	vld.idx.msk [tilespmem:v61+s2+$0x0], $0xffff  }
0x1bc: {  	v13 =	vadd.f32 v56, v13;
	v53 =	vadd.s32 v8, v32;
	v51 =	vld.idx.msk [tilespmem:v51+s2+$0x0], $0xffff;
	[tilespmem:v31+s19+$0x0] =	vst.idx.msk $0xffff, v25  }
0x1bd: {  	v19 =	vadd.f32 v40, v28;
	v38 =	vadd.f32 v38, v9;
	v25 =	vadd.s32 v7, v54;
	v31 =	vld.idx.msk [tilespmem:v62+s2+$0x0], $0xffff  }
0x1be: {  	v21 =	vadd.f32 v21, v29;
	v28 =	vadd.f32 v24, v13;
	v22 =	vld.idx.msk [tilespmem:v63+s2+$0x0], $0xffff;
	[tilespmem:v45+s19+$0x0] =	vst.idx.msk $0xffff, v44  }
0x1bf: {  	v11 =	vadd.f32 v11, v26;
	v29 =	vadd.s32 v4, v32;
	v9 =	vld.idx.msk [tilespmem:v50+s2+$0x0], $0xffff;
	[tilespmem:v23+s19+$0x0] =	vst.idx.msk $0xffff, v19  }
0x1c0: {  	v24 =	vadd.s32 v6, v27;
	v23 =	vadd.f32 v3, v28;
	v19 =	vld.idx.msk [tilespmem:v34+s2+$0x0], $0xffff;
	[tilespmem:v20+s19+$0x0] =	vst.idx.msk $0xffff, v21  }
0x1c1: {  	v13 =	vmov v49;
	v3 =	vmov v41;
	v20 =	vand.u32 $0x38, v43;
	v26 =	vld.idx.msk [tilespmem:v53+s2+$0x0], $0xffff;
	[tilespmem:v16+s19+$0x0] =	vst.idx.msk $0xffff, v11  }
0x1c2: {  	v34 =	vld.idx.msk [tilespmem:v25+s2+$0x0], $0xffff;
	[tilespmem:v14+s19+$0x0] =	vst.idx.msk $0xffff, v23  }
0x1c3: {  	v28 =	vld.idx.msk [tilespmem:v39+s2+$0x0], $0xffff;
	[tilespmem:v17+s19+$0x0] =	vst.idx.msk $0xffff, v38  }
0x1c4: {  	v11 =	vld.idx.msk [tilespmem:v29+s2+$0x0], $0xffff  }
0x1c5: {  	v25 =	vadd.s32 v4, v33;
	v17 =	vld.idx.msk [tilespmem:v48+s2+$0x0], $0xffff  }
0x1c6: {  	v14 =	vadd.f32 v30, v47;
	v23 =	vadd.s32 v8, v54;
	v21 =	vld.idx.msk [tilespmem:v55+s2+$0x0], $0xffff  }
0x1c7: {  	v30 =	vadd.s32 v4, v54;
	v29 =	vld.idx.msk [tilespmem:v36+s2+$0x0], $0xffff  }
0x1c8: {  	v39 =	vadd.s32 v6, v18;
	v36 =	vadd.f32 v51, v14;
	v38 =	vld.idx.msk [tilespmem:v57+s2+$0x0], $0xffff  }
0x1c9: {  	v41 =	vadd.s32 v6, v59;
	v14 =	vor.u32 v20, v15;
	v40 =	vld.idx.msk [tilespmem:v58+s2+$0x0], $0xffff  }
0x1ca: {  	v35 =	vor.u32 v10, v35;
	v44 =	vadd.s32 v8, v33;
	v16 =	vor.u32 v10, v32;
	v43 =	vld.idx.msk [tilespmem:v60+s2+$0x0], $0xffff  }
0x1cb: {  	v20 =	vor.u32 v10, v54;
	v32 =	vadd.f32 v17, v36;
	v36 =	vadd.s32 v7, v59;
	v45 =	vld.idx.msk [tilespmem:v23+s2+$0x0], $0xffff  }
0x1cc: {  	v47 =	vadd.s32 v8, v59;
	v17 =	vor.u32 v10, v46;
	v23 =	vadd.f32 v21, v37;
	v21 =	vld.idx.msk [tilespmem:v30+s2+$0x0], $0xffff  }
0x1cd: {  	v49 =	vadd.s32 v7, v18;
	v30 =	vadd.s32 v8, v27;
	v48 =	vadd.f32 v52, v32;
	v37 =	vld.idx.msk [tilespmem:v39+s2+$0x0], $0xffff  }
.Ltmp15:
0x1ce: {  	v27 =	vadd.s32 v6, v46;
	v31 =	vadd.f32 v31, v23;
	v29 =	vadd.f32 v38, v29;
	v32 =	vld.idx.msk [tilespmem:v41+s2+$0x0], $0xffff;
	(pc) =	sbr.rel @p0 .LBB2_31-.Ltmp15, $4  }
0x1cf: {  	v23 =	vor.u32 v10, v59;
	v39 =	vadd.s32 v7, v46;
	[tilespmem:v35+s19+$0x0] =	vst.idx.msk $0xffff, v48;
	v35 =	vld.idx.msk [tilespmem:v44+s2+$0x0], $0xffff  }
0x1d0: {  	v38 =	vadd.s32 v4, v46;
	v29 =	vadd.f32 v34, v29;
	v40 =	vadd.f32 v43, v40;
	v36 =	vld.idx.msk [tilespmem:v36+s2+$0x0], $0xffff  }
0x1d1: {  	v41 =	vadd.s32 v8, v18;
	v26 =	vadd.f32 v26, v31;
	v31 =	vor.u32 v10, v33;
	v34 =	vld.idx.msk [tilespmem:v47+s2+$0x0], $0xffff  }
0x1d2: {  	s24 =	smov.u32 s23;
	v29 =	vadd.f32 v45, v29;
	v42 =	vadd.f32 v42, v40;
	v40 =	vadd.s32 v4, v59;
	v33 =	vld.idx.msk [tilespmem:v49+s2+$0x0], $0xffff  }
.LBB2_32:
0x1d3: {  	_ =	sdelay $0x3  }
0x1d4: {  	v5 =	vld.idx.msk [tilespmem:v27+s2+$0x0], $0xffff  }
0x1d5: {  	v6 =	vld.idx.msk [tilespmem:v39+s2+$0x0], $0xffff  }
0x1d6: {  	v7 =	vld.idx.msk [tilespmem:v41+s2+$0x0], $0xffff  }
0x1d7: {  	v4 =	vadd.s32 v4, v18;
	v8 =	vld.idx.msk [tilespmem:v24+s2+$0x0], $0xffff  }
0x1d8: {  	v50 =	vld.idx.msk [tilespmem:v25+s2+$0x0], $0xffff  }
0x1d9: {  	v15 =	vadd.f32 v37, v22;
	v12 =	vld.idx.msk [tilespmem:v12+s2+$0x0], $0xffff  }
0x1da: {  	v53 =	vld.idx.msk [tilespmem:v40+s2+$0x0], $0xffff;
	v63 =	vadd.f32 v11, v26;
	v51 =	vadd.f32 v32, v28  }
0x1db: {  	v55 =	vld.idx.msk [tilespmem:v30+s2+$0x0], $0xffff;
	v52 =	vadd.f32 v35, v42;
	v61 =	vadd.f32 v21, v29  }
0x1dc: {  	v54 =	vadd.f32 v36, v51;
	v15 =	vadd.f32 v33, v15;
	v4 =	vld.idx.msk [tilespmem:v4+s2+$0x0], $0xffff  }
0x1dd: {  	v5 =	vadd.f32 v5, v19;
	v8 =	vadd.f32 v8, v13  }
0x1de: {  	v56 =	vadd.f32 v50, v52;
	v57 =	vadd.f32 v34, v54  }
0x1df: {  	v10 =	vor.u32 v10, v18;
	v58 =	vld.idx.msk [tilespmem:v38+s2+$0x0], $0xffff;
	v7 =	vadd.f32 v7, v15;
	v59 =	vadd.f32 v12, v8  }
0x1e0: {  	s22 =	sadd.s32 $0x1, s22;
	[tilespmem:v16+s19+$0x0] =	vst.idx.msk $0xffff, v63;
	v5 =	vadd.f32 v6, v5;
	v60 =	vadd.f32 v53, v57  }
0x1e1: {  	p0 =	sne.s32 s22, $0x40;
	[tilespmem:v20+s19+$0x0] =	vst.idx.msk $0xffff, v61;
	v4 =	vadd.f32 v4, v7;
	v7 =	vadd.f32 v55, v59  }
.Ltmp16:
0x1e2: {  	[tilespmem:v31+s19+$0x0] =	vst.idx.msk $0xffff, v56;
	v62 =	vadd.f32 v9, v5;
	(pc) =	sbr.rel @p0 .LBB2_30-.Ltmp16, $4  }
0x1e3: {  	[tilespmem:v23+s19+$0x0] =	vst.idx.msk $0xffff, v60;
	v3 =	vadd.f32 v3, v7  }
0x1e4: {  	[tilespmem:v10+s19+$0x0] =	vst.idx.msk $0xffff, v4;
	v4 =	vadd.f32 v58, v62  }
0x1e5: {  	[tilespmem:v14+s19+$0x0] =	vst.idx.msk $0xffff, v3  }
0x1e6: {  	[tilespmem:v17+s19+$0x0] =	vst.idx.msk $0xffff, v4  }
0x1e7: {  	[hbm4b:s10+s2] =	stream.linear.scatter [tilespmem:s19], [sflag:$0x1], $0x10000, $0x38;
	[tilespmem:$0x17A90] =	vst v63  }
0x1e8: {  	s20 =	sadd.s32 $0x1, s20  }
0x1e9: {  	p0 =	sne.s32 s20, s11  }
.Ltmp17:
0x1ea: {  	_ = 	snop;
	(pc) =	sbr.rel @p0 .LBB2_1-.Ltmp17, $4  }
.Ltmp18:
0x1eb: {  	_ = 	snop;
	(pc) =	sbr.rel @!p0 .LBB2_34-.Ltmp18, $4  }
0x1ec: {  	_ =	swait.ge [sflag:s12], $0x10000  }
0x1ed: {  	[sflag:s12] =	ssyncset.done $0x0  }
0x1ee: {  	[sflag:s12] =	ssyncadd.s32 $0xFFFF0000  }
0x1ef: {  	_ = 	snop  }
.LBB2_18:
.Ltmp19:
0x1f0: {  	(pc) =	sbr.rel .LBB2_23-.Ltmp19, $2  }
0x1f1: {  	_ =	sdelay $0x2  }
0x1f2: {  	p2 =	por $0x0, $0x0  }
.LBB2_24:
.Ltmp20:
0x1f3: {  	(pc) =	sbr.rel .LBB2_29-.Ltmp20, $2  }
0x1f4: {  	_ =	sdelay $0x2  }
0x1f5: {  	_ = 	snop  }
.LBB2_20:
.Ltmp21:
0x1f6: {  	(pc) =	sbr.rel .LBB2_23-.Ltmp21, $2  }
0x1f7: {  	_ =	sdelay $0x2  }
0x1f8: {  	s23 =	simm.s32 $0x7270;
	s21 =	simm.s32 $0x72B0  }
.LBB2_26:
.Ltmp22:
0x1f9: {  	(pc) =	sbr.rel .LBB2_29-.Ltmp22, $2  }
0x1fa: {  	_ =	sdelay $0x2  }
0x1fb: {  	s23 =	simm.s32 $0x7670;
	s22 =	simm.s32 $0x76B0  }
.LBB2_34:
0x1fc: {  	_ =	sfence.sel $0x180000  }
0x1fd: {  	[bflag:$0x0] =	sbarrier.arrive $0xFFFF  }
0x1fe: {  	p0 =	sne.s32 s0, $0x0;
	_ =	strace $0x90000047  }
0x1ff: {  	s0 =	sadd.s32 @!p0 $0x100000, s1;
	[bflag:$0x2] =	sbarrier.arrive $0xFFFF  }
0x200: {  	[sflag:s0] =	ssyncadd.tile.s32 @!p0 $0x1;
	_ =	shalt  }
.Lfunc_end2:
_tile_overlayer_lowered:
.L_overlay_start_2:
0x201: {  	(tag) =	ssettag $0x2  }
0x202: {  	s0 =	rddreg [dreg:$0x0];
	s2 =	stileid.u32  }
0x203: {  	s1 =	rddreg [dreg:$0x1];
	p0 =	sne.s32 s2, $0x0  }
0x204: {  	s3 =	rddreg [dreg:$0x2];
	[bflag:$0x3] =	sbarrier.arrive $0xFFFF;
	s2 =	simm.s32 @!p0 $0x1C01  }
0x205: {  	[timem:s3], [sflag:s2] =	dma.local @!p0 [hbm:s0], s1  }
0x206: {  	s0 =	simm.s32 @!p0 $0x1  }
0x207: {  	_ =	swait.ge @!p0 [sflag:s0], s1  }
0x208: {  	s1 =	ssub.s32 @!p0 $0x0, s1;
	[sflag:s0] =	ssyncset.done @!p0 $0x0  }
0x209: {  	[sflag:s0] =	ssyncadd.s32 @!p0 s1  }
0x20a: {  	[bflag:$0x3] =	sbarrier.arrive $0xFFFF  }
0x20b: {  	_ =	shalt  }

</sc_bundles>
